<compile_context>
chip_gen: v7x
topology: tpu7x:2x2x1
jax: 0.10.2.dev20260603
libtpu: 0.0.44.dev20260713+nightly
codegen_flags: <defaults>
</compile_context>

<pallas_src>
import jax
import jax.numpy as jnp
from jax import lax
from jax.experimental import pallas as pl
from jax.experimental.pallas import tpu as pltpu
from jax.experimental.pallas import tpu_sc as plsc

_B, _N, _D = 64, 8192, 64
_NC, _NS, _L = 2, 16, 16
_NW = _NC * _NS
_TCB = 32
_SCB = _B - _TCB
_CHUNK = 256
_NCHUNK = _N // _CHUNK
_SLOTS = 8
_RPS = _CHUNK // _SLOTS

_GDN = lax.GatherDimensionNumbers(
    offset_dims=(), collapsed_slice_dims=(0,), start_index_map=(0,))


def _lane_perms(lanes):
    return [jnp.bitwise_xor(lanes, sh)[:, None] for sh in (8, 4, 2, 1)]


def _row_sum_splat(buf, r, perms):
    v0 = buf[0, r, pl.ds(0, _L)]
    v1 = buf[0, r, pl.ds(16, _L)]
    v2 = buf[0, r, pl.ds(32, _L)]
    v3 = buf[0, r, pl.ds(48, _L)]
    s = (v0 * v0 + v1 * v1) + (v2 * v2 + v3 * v3)
    for perm in perms:
        s = s + lax.gather(s, perm, _GDN, (1,),
                           mode=lax.GatherScatterMode.PROMISE_IN_BOUNDS)
    return s


def _sc_body(x_hbm, out_hbm, buf, buf2, obuf, iobuf, sems, sems2):
    wid = lax.axis_index("s") * _NC + lax.axis_index("c")
    lanes = lax.iota(jnp.int32, _L)
    perms = _lane_perms(lanes)

    _Q = _CHUNK // 4

    def _qcopy(b, c, bufk, sms):
        out = []
        for q in range(4):
            src = x_hbm.at[pl.ds(b, 1), pl.ds(c * _CHUNK + q * _Q, _Q), :]
            dst = bufk.at[:, pl.ds(q * _Q, _Q), :]
            out.append(pltpu.make_async_copy(src, dst, sms[q]))
        return out

    def _start_chunk(b, c, bufk, sms):
        for cp in _qcopy(b, c, bufk, sms):
            cp.start()

    def _wait_chunk(b, c, bufk, sms):
        for cp in _qcopy(b, c, bufk, sms):
            cp.wait()

    b = _TCB + wid

    def process_chunk(bufk, c, carry, perms=perms):
        def jbody(j, carry2):
            ms, ids = carry2
            nms, nids = [], []
            for k in range(_SLOTS):
                r = k * _RPS + j
                s = _row_sum_splat(bufk, r, perms)
                upd = s > ms[k]
                nms.append(jnp.where(upd, s, ms[k]))
                nids.append(jnp.where(upd, c * _CHUNK + r, ids[k]))
            return (tuple(nms), tuple(nids))

        return lax.fori_loop(0, _RPS, jbody, carry)

    _start_chunk(b, 0, buf, sems)

    def pair_body(k, carry):
        c0 = 2 * k
        _wait_chunk(b, c0, buf, sems)
        _start_chunk(b, c0 + 1, buf2, sems2)
        carry = process_chunk(buf, c0, carry)
        _wait_chunk(b, c0 + 1, buf2, sems2)

        @pl.when(k < _NCHUNK // 2 - 1)
        def _():
            _start_chunk(b, c0 + 2, buf, sems)

        return process_chunk(buf2, c0 + 1, carry)

    ms0 = tuple(jnp.full((_L,), -1.0, jnp.float32) for _ in range(_SLOTS))
    ids0 = tuple(jnp.zeros((_L,), jnp.int32) for _ in range(_SLOTS))
    ms, ids = lax.fori_loop(0, _NCHUNK // 2, pair_body, (ms0, ids0))

    m, idxv = ms[0], ids[0]
    for k in range(1, _SLOTS):
        upd = (ms[k] > m) | ((ms[k] == m) & (ids[k] < idxv))
        m = jnp.where(upd, ms[k], m)
        idxv = jnp.where(upd, ids[k], idxv)

    iobuf[pl.ds(0, _L)] = idxv
    widx = iobuf[pl.ds(0, _L)][0]
    pltpu.sync_copy(x_hbm.at[pl.ds(b, 1), pl.ds(widx, 1), :], obuf)
    pltpu.sync_copy(obuf, out_hbm.at[pl.ds(wid, 1)])


def _sc_half(x):
    mesh = plsc.VectorSubcoreMesh(core_axis_name="c", subcore_axis_name="s",
                                  num_cores=_NC, num_subcores=_NS)
    k = pl.kernel(
        _sc_body,
        mesh=mesh,
        out_type=jax.ShapeDtypeStruct((_SCB, 1, _D), jnp.float32),
        scratch_types=[
            pltpu.VMEM((1, _CHUNK, _D), jnp.float32),
            pltpu.VMEM((1, _CHUNK, _D), jnp.float32),
            pltpu.VMEM((1, 1, _D), jnp.float32),
            pltpu.VMEM((_L,), jnp.int32),
            [pltpu.SemaphoreType.DMA] * 4,
            [pltpu.SemaphoreType.DMA] * 4,
        ],
        compiler_params=pltpu.CompilerParams(use_tc_tiling_on_sc=True,
                                             skip_device_barrier=True),
    )
    return k(x)


def _tc_body(x_ref, o_ref):
    x2 = x_ref[0]
    y = x2 * x2
    s = jnp.sum(y, axis=1, keepdims=True)
    m = jnp.sqrt(s)
    maxv = jnp.max(m)
    iota = lax.broadcasted_iota(jnp.int32, (_N, 1), 0)
    idx = jnp.min(jnp.where(m == maxv, iota, _N))
    o_ref[0] = x_ref[0, pl.ds(idx, 1), :]


def _tc_half(x):
    return pl.pallas_call(
        _tc_body,
        grid=(_TCB,),
        in_specs=[pl.BlockSpec((1, _N, _D), lambda b: (b, 0, 0))],
        out_specs=pl.BlockSpec((1, 1, _D), lambda b: (b, 0, 0)),
        out_shape=jax.ShapeDtypeStruct((_TCB, 1, _D), jnp.float32),
    )(x)


def kernel(x):
    sc_out = _sc_half(x)
    tc_out = _tc_half(x)
    return jnp.concatenate([tc_out, sc_out], axis=0)

# --- scband reference (transcript-rebuilt; emitter-appended) ---
"""Pipeline reference for scband-findmax-35828617183262 (READ-ONLY COPY).

The authoritative reference and input builder live on the scoring server;
editing this copy changes nothing except your own understanding.
"""

import jax, jax.numpy as jnp
import numpy as np

def setup_inputs(seed: int = 0) -> dict:
    key = jax.random.key(seed)
    x = jax.random.normal(key, (64, 8192, 64), dtype=jnp.float32)
    return {"x": x}

def reference(x):
    # v_mag = sqrt(sum(x^2, dim=2, keepdim=True)) -> [B, N, 1]
    v_mag = jnp.sqrt(jnp.sum(x ** 2, axis=2, keepdims=True))
    # argmax over dim=1 (keepdim behavior of torch max on [B,N,1] -> [B,1])
    v_max_index = jnp.argmax(v_mag, axis=1)  # [B, 1]
    # gather x[i, ind] for each batch -> [B, 1, D]
    output = jnp.take_along_axis(x, v_max_index[:, :, None], axis=1)  # [B, 1, D]
    return output

if __name__ == "__main__":
    import jax
    _d = setup_inputs()
    print(jax.jit(kernel)(*tuple(_d.values())))

</pallas_src>

<mosaic_0001>
#map = affine_map<(d0, d1) -> (0, 0, 0)>
module attributes {stable_mosaic.version = 14 : i64} {
  func.func @_sc_body(%arg0: i32, %arg1: i32, %arg2: memref<64x8192x64xf32, #tpu.memory_space<hbm>>, %arg3: memref<32x1x64xf32, #tpu.memory_space<hbm>>, %arg4: memref<1x256x64xf32, #tpu.memory_space<vmem>>, %arg5: memref<1x256x64xf32, #tpu.memory_space<vmem>>, %arg6: memref<1x1x64xf32, #tpu.memory_space<vmem>>, %arg7: memref<16xi32, #tpu.memory_space<vmem>>, %arg8: memref<!tpu.dma_semaphore, #tpu.memory_space<semaphore_mem>>, %arg9: memref<!tpu.dma_semaphore, #tpu.memory_space<semaphore_mem>>, %arg10: memref<!tpu.dma_semaphore, #tpu.memory_space<semaphore_mem>>, %arg11: memref<!tpu.dma_semaphore, #tpu.memory_space<semaphore_mem>>, %arg12: memref<!tpu.dma_semaphore, #tpu.memory_space<semaphore_mem>>, %arg13: memref<!tpu.dma_semaphore, #tpu.memory_space<semaphore_mem>>, %arg14: memref<!tpu.dma_semaphore, #tpu.memory_space<semaphore_mem>>, %arg15: memref<!tpu.dma_semaphore, #tpu.memory_space<semaphore_mem>>) attributes {dimension_semantics = [#tpu.dimension_semantics<core_parallel>, #tpu.dimension_semantics<subcore_parallel>], iteration_bounds = array<i64: 2, 16>, scalar_prefetch = 0 : i64, scratch_operands = 12 : i64, tpu.core_type = #tpu.core_type<sc_vector_subcore>, window_params = [{transform_indices = #map}, {transform_indices = #map}]} {
    %mul3A = arith.constant 2 : i32
    %mul3A_0 = arith.muli %arg1, %mul3A : i32
    %add3A = arith.addi %mul3A_0, %arg0 : i32
    %iota3A = tpu.iota {dimensions = array<i32: 0>} : vector<16xi32>
    %xor3A = arith.constant 8 : i32
    %xor3A_1 = vector.broadcast %xor3A : i32 to vector<16xi32>
    %xor3A_2 = arith.xori %iota3A, %xor3A_1 : vector<16xi32>
    %broadcast_in_dim3A = vector.shape_cast %xor3A_2 : vector<16xi32> to vector<16x1xi32>
    %xor3A_3 = arith.constant 4 : i32
    %xor3A_4 = vector.broadcast %xor3A_3 : i32 to vector<16xi32>
    %xor3A_5 = arith.xori %iota3A, %xor3A_4 : vector<16xi32>
    %broadcast_in_dim3A_6 = vector.shape_cast %xor3A_5 : vector<16xi32> to vector<16x1xi32>
    %xor3A_7 = arith.constant 2 : i32
    %xor3A_8 = vector.broadcast %xor3A_7 : i32 to vector<16xi32>
    %xor3A_9 = arith.xori %iota3A, %xor3A_8 : vector<16xi32>
    %broadcast_in_dim3A_10 = vector.shape_cast %xor3A_9 : vector<16xi32> to vector<16x1xi32>
    %xor3A_11 = arith.constant 1 : i32
    %xor3A_12 = vector.broadcast %xor3A_11 : i32 to vector<16xi32>
    %xor3A_13 = arith.xori %iota3A, %xor3A_12 : vector<16xi32>
    %broadcast_in_dim3A_14 = vector.shape_cast %xor3A_13 : vector<16xi32> to vector<16x1xi32>
    %add3A_15 = arith.constant 32 : i32
    %add3A_16 = arith.addi %add3A_15, %add3A : i32
    %dma_start3A = arith.constant 0 : i32
    %dma_start3A_17 = arith.constant 0 : i32
    %dma_start3A_18 = arith.constant 0 : i32
    %dma_start3A_19 = tpu.memref_slice %arg4[%dma_start3A, %dma_start3A_17, %dma_start3A_18] : memref<1x256x64xf32, #tpu.memory_space<vmem>> -> memref<1x64x64xf32, #tpu.memory_space<vmem>>
    %dma_start3A_20 = arith.constant 0 : i32
    %dma_start3A_21 = arith.constant 0 : i32
    %dma_start3A_22 = tpu.memref_slice %arg2[%add3A_16, %dma_start3A_20, %dma_start3A_21] : memref<64x8192x64xf32, #tpu.memory_space<hbm>> -> memref<1x64x64xf32, #tpu.memory_space<hbm>>
    %dma_start3A_23 = arith.constant 0 : i32
    %dma_start3A_24 = arith.constant 0 : i32
    %dma_start3A_25 = arith.constant 0 : i32
    %dma_start3A_26 = tpu.memref_slice %arg4[%dma_start3A_23, %dma_start3A_24, %dma_start3A_25] : memref<1x256x64xf32, #tpu.memory_space<vmem>> -> memref<1x64x64xf32, #tpu.memory_space<vmem>>
    %dma_start3A_27 = arith.constant 0 : i32
    %dma_start3A_28 = arith.constant 0 : i32
    %dma_start3A_29 = tpu.memref_slice %arg2[%add3A_16, %dma_start3A_27, %dma_start3A_28] : memref<64x8192x64xf32, #tpu.memory_space<hbm>> -> memref<1x64x64xf32, #tpu.memory_space<hbm>>
    tpu.enqueue_dma source(%dma_start3A_29 : memref<1x64x64xf32, #tpu.memory_space<hbm>>) target(%dma_start3A_26 : memref<1x64x64xf32, #tpu.memory_space<vmem>>) target_semaphore(%arg8 : memref<!tpu.dma_semaphore, #tpu.memory_space<semaphore_mem>>)
    %dma_start3A_30 = arith.constant 0 : i32
    %dma_start3A_31 = arith.constant 64 : i32
    %dma_start3A_32 = arith.constant 0 : i32
    %dma_start3A_33 = tpu.memref_slice %arg4[%dma_start3A_30, %dma_start3A_31, %dma_start3A_32] : memref<1x256x64xf32, #tpu.memory_space<vmem>> -> memref<1x64x64xf32, #tpu.memory_space<vmem>>
    %dma_start3A_34 = arith.constant 64 : i32
    %dma_start3A_35 = arith.constant 0 : i32
    %dma_start3A_36 = tpu.memref_slice %arg2[%add3A_16, %dma_start3A_34, %dma_start3A_35] : memref<64x8192x64xf32, #tpu.memory_space<hbm>> -> memref<1x64x64xf32, #tpu.memory_space<hbm>>
    %dma_start3A_37 = arith.constant 0 : i32
    %dma_start3A_38 = arith.constant 64 : i32
    %dma_start3A_39 = arith.constant 0 : i32
    %dma_start3A_40 = tpu.memref_slice %arg4[%dma_start3A_37, %dma_start3A_38, %dma_start3A_39] : memref<1x256x64xf32, #tpu.memory_space<vmem>> -> memref<1x64x64xf32, #tpu.memory_space<vmem>>
    %dma_start3A_41 = arith.constant 64 : i32
    %dma_start3A_42 = arith.constant 0 : i32
    %dma_start3A_43 = tpu.memref_slice %arg2[%add3A_16, %dma_start3A_41, %dma_start3A_42] : memref<64x8192x64xf32, #tpu.memory_space<hbm>> -> memref<1x64x64xf32, #tpu.memory_space<hbm>>
    tpu.enqueue_dma source(%dma_start3A_43 : memref<1x64x64xf32, #tpu.memory_space<hbm>>) target(%dma_start3A_40 : memref<1x64x64xf32, #tpu.memory_space<vmem>>) target_semaphore(%arg9 : memref<!tpu.dma_semaphore, #tpu.memory_space<semaphore_mem>>)
    %dma_start3A_44 = arith.constant 0 : i32
    %dma_start3A_45 = arith.constant 128 : i32
    %dma_start3A_46 = arith.constant 0 : i32
    %dma_start3A_47 = tpu.memref_slice %arg4[%dma_start3A_44, %dma_start3A_45, %dma_start3A_46] : memref<1x256x64xf32, #tpu.memory_space<vmem>> -> memref<1x64x64xf32, #tpu.memory_space<vmem>>
    %dma_start3A_48 = arith.constant 128 : i32
    %dma_start3A_49 = arith.constant 0 : i32
    %dma_start3A_50 = tpu.memref_slice %arg2[%add3A_16, %dma_start3A_48, %dma_start3A_49] : memref<64x8192x64xf32, #tpu.memory_space<hbm>> -> memref<1x64x64xf32, #tpu.memory_space<hbm>>
    %dma_start3A_51 = arith.constant 0 : i32
    %dma_start3A_52 = arith.constant 128 : i32
    %dma_start3A_53 = arith.constant 0 : i32
    %dma_start3A_54 = tpu.memref_slice %arg4[%dma_start3A_51, %dma_start3A_52, %dma_start3A_53] : memref<1x256x64xf32, #tpu.memory_space<vmem>> -> memref<1x64x64xf32, #tpu.memory_space<vmem>>
    %dma_start3A_55 = arith.constant 128 : i32
    %dma_start3A_56 = arith.constant 0 : i32
    %dma_start3A_57 = tpu.memref_slice %arg2[%add3A_16, %dma_start3A_55, %dma_start3A_56] : memref<64x8192x64xf32, #tpu.memory_space<hbm>> -> memref<1x64x64xf32, #tpu.memory_space<hbm>>
    tpu.enqueue_dma source(%dma_start3A_57 : memref<1x64x64xf32, #tpu.memory_space<hbm>>) target(%dma_start3A_54 : memref<1x64x64xf32, #tpu.memory_space<vmem>>) target_semaphore(%arg10 : memref<!tpu.dma_semaphore, #tpu.memory_space<semaphore_mem>>)
    %dma_start3A_58 = arith.constant 0 : i32
    %dma_start3A_59 = arith.constant 192 : i32
    %dma_start3A_60 = arith.constant 0 : i32
    %dma_start3A_61 = tpu.memref_slice %arg4[%dma_start3A_58, %dma_start3A_59, %dma_start3A_60] : memref<1x256x64xf32, #tpu.memory_space<vmem>> -> memref<1x64x64xf32, #tpu.memory_space<vmem>>
    %dma_start3A_62 = arith.constant 192 : i32
    %dma_start3A_63 = arith.constant 0 : i32
    %dma_start3A_64 = tpu.memref_slice %arg2[%add3A_16, %dma_start3A_62, %dma_start3A_63] : memref<64x8192x64xf32, #tpu.memory_space<hbm>> -> memref<1x64x64xf32, #tpu.memory_space<hbm>>
    %dma_start3A_65 = arith.constant 0 : i32
    %dma_start3A_66 = arith.constant 192 : i32
    %dma_start3A_67 = arith.constant 0 : i32
    %dma_start3A_68 = tpu.memref_slice %arg4[%dma_start3A_65, %dma_start3A_66, %dma_start3A_67] : memref<1x256x64xf32, #tpu.memory_space<vmem>> -> memref<1x64x64xf32, #tpu.memory_space<vmem>>
    %dma_start3A_69 = arith.constant 192 : i32
    %dma_start3A_70 = arith.constant 0 : i32
    %dma_start3A_71 = tpu.memref_slice %arg2[%add3A_16, %dma_start3A_69, %dma_start3A_70] : memref<64x8192x64xf32, #tpu.memory_space<hbm>> -> memref<1x64x64xf32, #tpu.memory_space<hbm>>
    tpu.enqueue_dma source(%dma_start3A_71 : memref<1x64x64xf32, #tpu.memory_space<hbm>>) target(%dma_start3A_68 : memref<1x64x64xf32, #tpu.memory_space<vmem>>) target_semaphore(%arg11 : memref<!tpu.dma_semaphore, #tpu.memory_space<semaphore_mem>>)
    %broadcast_in_dim3A_72 = arith.constant -1.000000e+00 : f32
    %broadcast_in_dim3A_73 = vector.broadcast %broadcast_in_dim3A_72 : f32 to vector<16xf32>
    %broadcast_in_dim3A_74 = arith.constant -1.000000e+00 : f32
    %broadcast_in_dim3A_75 = vector.broadcast %broadcast_in_dim3A_74 : f32 to vector<16xf32>
    %broadcast_in_dim3A_76 = arith.constant -1.000000e+00 : f32
    %broadcast_in_dim3A_77 = vector.broadcast %broadcast_in_dim3A_76 : f32 to vector<16xf32>
    %broadcast_in_dim3A_78 = arith.constant -1.000000e+00 : f32
    %broadcast_in_dim3A_79 = vector.broadcast %broadcast_in_dim3A_78 : f32 to vector<16xf32>
    %broadcast_in_dim3A_80 = arith.constant -1.000000e+00 : f32
    %broadcast_in_dim3A_81 = vector.broadcast %broadcast_in_dim3A_80 : f32 to vector<16xf32>
    %broadcast_in_dim3A_82 = arith.constant -1.000000e+00 : f32
    %broadcast_in_dim3A_83 = vector.broadcast %broadcast_in_dim3A_82 : f32 to vector<16xf32>
    %broadcast_in_dim3A_84 = arith.constant -1.000000e+00 : f32
    %broadcast_in_dim3A_85 = vector.broadcast %broadcast_in_dim3A_84 : f32 to vector<16xf32>
    %broadcast_in_dim3A_86 = arith.constant -1.000000e+00 : f32
    %broadcast_in_dim3A_87 = vector.broadcast %broadcast_in_dim3A_86 : f32 to vector<16xf32>
    %broadcast_in_dim3A_88 = arith.constant 0 : i32
    %broadcast_in_dim3A_89 = vector.broadcast %broadcast_in_dim3A_88 : i32 to vector<16xi32>
    %broadcast_in_dim3A_90 = arith.constant 0 : i32
    %broadcast_in_dim3A_91 = vector.broadcast %broadcast_in_dim3A_90 : i32 to vector<16xi32>
    %broadcast_in_dim3A_92 = arith.constant 0 : i32
    %broadcast_in_dim3A_93 = vector.broadcast %broadcast_in_dim3A_92 : i32 to vector<16xi32>
    %broadcast_in_dim3A_94 = arith.constant 0 : i32
    %broadcast_in_dim3A_95 = vector.broadcast %broadcast_in_dim3A_94 : i32 to vector<16xi32>
    %broadcast_in_dim3A_96 = arith.constant 0 : i32
    %broadcast_in_dim3A_97 = vector.broadcast %broadcast_in_dim3A_96 : i32 to vector<16xi32>
    %broadcast_in_dim3A_98 = arith.constant 0 : i32
    %broadcast_in_dim3A_99 = vector.broadcast %broadcast_in_dim3A_98 : i32 to vector<16xi32>
    %broadcast_in_dim3A_100 = arith.constant 0 : i32
    %broadcast_in_dim3A_101 = vector.broadcast %broadcast_in_dim3A_100 : i32 to vector<16xi32>
    %broadcast_in_dim3A_102 = arith.constant 0 : i32
    %broadcast_in_dim3A_103 = vector.broadcast %broadcast_in_dim3A_102 : i32 to vector<16xi32>
    %scan3A = arith.constant 0 : i32
    %scan3A_104 = arith.constant 16 : i32
    %scan3A_105 = arith.addi %scan3A, %scan3A_104 : i32
    %scan3A_106 = arith.constant 1 : i32
    %scan3A_107:16 = scf.for %scan3A_157 = %scan3A to %scan3A_105 step %scan3A_106 iter_args(%scan3A_158 = %broadcast_in_dim3A_73, %scan3A_159 = %broadcast_in_dim3A_75, %scan3A_160 = %broadcast_in_dim3A_77, %scan3A_161 = %broadcast_in_dim3A_79, %scan3A_162 = %broadcast_in_dim3A_81, %scan3A_163 = %broadcast_in_dim3A_83, %scan3A_164 = %broadcast_in_dim3A_85, %scan3A_165 = %broadcast_in_dim3A_87, %scan3A_166 = %broadcast_in_dim3A_89, %scan3A_167 = %broadcast_in_dim3A_91, %scan3A_168 = %broadcast_in_dim3A_93, %scan3A_169 = %broadcast_in_dim3A_95, %scan3A_170 = %broadcast_in_dim3A_97, %scan3A_171 = %broadcast_in_dim3A_99, %scan3A_172 = %broadcast_in_dim3A_101, %scan3A_173 = %broadcast_in_dim3A_103) -> (vector<16xf32>, vector<16xf32>, vector<16xf32>, vector<16xf32>, vector<16xf32>, vector<16xf32>, vector<16xf32>, vector<16xf32>, vector<16xi32>, vector<16xi32>, vector<16xi32>, vector<16xi32>, vector<16xi32>, vector<16xi32>, vector<16xi32>, vector<16xi32>)  : i32 {
      %mul3A_174 = arith.constant 2 : i32
      %mul3A_175 = arith.muli %mul3A_174, %scan3A_157 : i32
      %mul3A_176 = arith.constant 256 : i32
      %mul3A_177 = arith.muli %mul3A_175, %mul3A_176 : i32
      %add3A_178 = arith.constant 0 : i32
      %add3A_179 = arith.addi %mul3A_177, %add3A_178 : i32
      %mul3A_180 = arith.constant 256 : i32
      %mul3A_181 = arith.muli %mul3A_175, %mul3A_180 : i32
      %add3A_182 = arith.constant 64 : i32
      %add3A_183 = arith.addi %mul3A_181, %add3A_182 : i32
      %mul3A_184 = arith.constant 256 : i32
      %mul3A_185 = arith.muli %mul3A_175, %mul3A_184 : i32
      %add3A_186 = arith.constant 128 : i32
      %add3A_187 = arith.addi %mul3A_185, %add3A_186 : i32
      %mul3A_188 = arith.constant 256 : i32
      %mul3A_189 = arith.muli %mul3A_175, %mul3A_188 : i32
      %add3A_190 = arith.constant 192 : i32
      %add3A_191 = arith.addi %mul3A_189, %add3A_190 : i32
      %dma_wait3A = arith.constant 0 : i32
      %dma_wait3A_192 = arith.constant 0 : i32
      %dma_wait3A_193 = arith.constant 0 : i32
      %dma_wait3A_194 = tpu.memref_slice %arg4[%dma_wait3A, %dma_wait3A_192, %dma_wait3A_193] : memref<1x256x64xf32, #tpu.memory_space<vmem>> -> memref<1x64x64xf32, #tpu.memory_space<vmem>>
      %dma_wait3A_195 = arith.constant 0 : i32
      %dma_wait3A_196 = tpu.memref_slice %arg2[%add3A_16, %add3A_179, %dma_wait3A_195] : memref<64x8192x64xf32, #tpu.memory_space<hbm>> -> memref<1x64x64xf32, #tpu.memory_space<hbm>>
      %dma_wait3A_197 = arith.constant 0 : i32
      %dma_wait3A_198 = arith.constant 0 : i32
      %dma_wait3A_199 = arith.constant 0 : i32
      %dma_wait3A_200 = tpu.memref_slice %arg4[%dma_wait3A_197, %dma_wait3A_198, %dma_wait3A_199] : memref<1x256x64xf32, #tpu.memory_space<vmem>> -> memref<1x64x64xf32, #tpu.memory_space<vmem>>
      %dma_wait3A_201 = arith.constant 0 : i32
      %dma_wait3A_202 = tpu.memref_slice %arg2[%add3A_16, %add3A_179, %dma_wait3A_201] : memref<64x8192x64xf32, #tpu.memory_space<hbm>> -> memref<1x64x64xf32, #tpu.memory_space<hbm>>
      tpu.wait_dma2 semaphore(%arg8 : memref<!tpu.dma_semaphore, #tpu.memory_space<semaphore_mem>>) src(%dma_wait3A_202 : memref<1x64x64xf32, #tpu.memory_space<hbm>>) dst(%dma_wait3A_200 : memref<1x64x64xf32, #tpu.memory_space<vmem>>)
      %dma_wait3A_203 = arith.constant 0 : i32
      %dma_wait3A_204 = arith.constant 64 : i32
      %dma_wait3A_205 = arith.constant 0 : i32
      %dma_wait3A_206 = tpu.memref_slice %arg4[%dma_wait3A_203, %dma_wait3A_204, %dma_wait3A_205] : memref<1x256x64xf32, #tpu.memory_space<vmem>> -> memref<1x64x64xf32, #tpu.memory_space<vmem>>
      %dma_wait3A_207 = arith.constant 0 : i32
      %dma_wait3A_208 = tpu.memref_slice %arg2[%add3A_16, %add3A_183, %dma_wait3A_207] : memref<64x8192x64xf32, #tpu.memory_space<hbm>> -> memref<1x64x64xf32, #tpu.memory_space<hbm>>
      %dma_wait3A_209 = arith.constant 0 : i32
      %dma_wait3A_210 = arith.constant 64 : i32
      %dma_wait3A_211 = arith.constant 0 : i32
      %dma_wait3A_212 = tpu.memref_slice %arg4[%dma_wait3A_209, %dma_wait3A_210, %dma_wait3A_211] : memref<1x256x64xf32, #tpu.memory_space<vmem>> -> memref<1x64x64xf32, #tpu.memory_space<vmem>>
      %dma_wait3A_213 = arith.constant 0 : i32
      %dma_wait3A_214 = tpu.memref_slice %arg2[%add3A_16, %add3A_183, %dma_wait3A_213] : memref<64x8192x64xf32, #tpu.memory_space<hbm>> -> memref<1x64x64xf32, #tpu.memory_space<hbm>>
      tpu.wait_dma2 semaphore(%arg9 : memref<!tpu.dma_semaphore, #tpu.memory_space<semaphore_mem>>) src(%dma_wait3A_214 : memref<1x64x64xf32, #tpu.memory_space<hbm>>) dst(%dma_wait3A_212 : memref<1x64x64xf32, #tpu.memory_space<vmem>>)
      %dma_wait3A_215 = arith.constant 0 : i32
      %dma_wait3A_216 = arith.constant 128 : i32
      %dma_wait3A_217 = arith.constant 0 : i32
      %dma_wait3A_218 = tpu.memref_slice %arg4[%dma_wait3A_215, %dma_wait3A_216, %dma_wait3A_217] : memref<1x256x64xf32, #tpu.memory_space<vmem>> -> memref<1x64x64xf32, #tpu.memory_space<vmem>>
      %dma_wait3A_219 = arith.constant 0 : i32
      %dma_wait3A_220 = tpu.memref_slice %arg2[%add3A_16, %add3A_187, %dma_wait3A_219] : memref<64x8192x64xf32, #tpu.memory_space<hbm>> -> memref<1x64x64xf32, #tpu.memory_space<hbm>>
      %dma_wait3A_221 = arith.constant 0 : i32
      %dma_wait3A_222 = arith.constant 128 : i32
      %dma_wait3A_223 = arith.constant 0 : i32
      %dma_wait3A_224 = tpu.memref_slice %arg4[%dma_wait3A_221, %dma_wait3A_222, %dma_wait3A_223] : memref<1x256x64xf32, #tpu.memory_space<vmem>> -> memref<1x64x64xf32, #tpu.memory_space<vmem>>
      %dma_wait3A_225 = arith.constant 0 : i32
      %dma_wait3A_226 = tpu.memref_slice %arg2[%add3A_16, %add3A_187, %dma_wait3A_225] : memref<64x8192x64xf32, #tpu.memory_space<hbm>> -> memref<1x64x64xf32, #tpu.memory_space<hbm>>
      tpu.wait_dma2 semaphore(%arg10 : memref<!tpu.dma_semaphore, #tpu.memory_space<semaphore_mem>>) src(%dma_wait3A_226 : memref<1x64x64xf32, #tpu.memory_space<hbm>>) dst(%dma_wait3A_224 : memref<1x64x64xf32, #tpu.memory_space<vmem>>)
      %dma_wait3A_227 = arith.constant 0 : i32
      %dma_wait3A_228 = arith.constant 192 : i32
      %dma_wait3A_229 = arith.constant 0 : i32
      %dma_wait3A_230 = tpu.memref_slice %arg4[%dma_wait3A_227, %dma_wait3A_228, %dma_wait3A_229] : memref<1x256x64xf32, #tpu.memory_space<vmem>> -> memref<1x64x64xf32, #tpu.memory_space<vmem>>
      %dma_wait3A_231 = arith.constant 0 : i32
      %dma_wait3A_232 = tpu.memref_slice %arg2[%add3A_16, %add3A_191, %dma_wait3A_231] : memref<64x8192x64xf32, #tpu.memory_space<hbm>> -> memref<1x64x64xf32, #tpu.memory_space<hbm>>
      %dma_wait3A_233 = arith.constant 0 : i32
      %dma_wait3A_234 = arith.constant 192 : i32
      %dma_wait3A_235 = arith.constant 0 : i32
      %dma_wait3A_236 = tpu.memref_slice %arg4[%dma_wait3A_233, %dma_wait3A_234, %dma_wait3A_235] : memref<1x256x64xf32, #tpu.memory_space<vmem>> -> memref<1x64x64xf32, #tpu.memory_space<vmem>>
      %dma_wait3A_237 = arith.constant 0 : i32
      %dma_wait3A_238 = tpu.memref_slice %arg2[%add3A_16, %add3A_191, %dma_wait3A_237] : memref<64x8192x64xf32, #tpu.memory_space<hbm>> -> memref<1x64x64xf32, #tpu.memory_space<hbm>>
      tpu.wait_dma2 semaphore(%arg11 : memref<!tpu.dma_semaphore, #tpu.memory_space<semaphore_mem>>) src(%dma_wait3A_238 : memref<1x64x64xf32, #tpu.memory_space<hbm>>) dst(%dma_wait3A_236 : memref<1x64x64xf32, #tpu.memory_space<vmem>>)
      %add3A_239 = arith.constant 1 : i32
      %add3A_240 = arith.addi %mul3A_175, %add3A_239 : i32
      %mul3A_241 = arith.constant 256 : i32
      %mul3A_242 = arith.muli %add3A_240, %mul3A_241 : i32
      %add3A_243 = arith.constant 0 : i32
      %add3A_244 = arith.addi %mul3A_242, %add3A_243 : i32
      %mul3A_245 = arith.constant 256 : i32
      %mul3A_246 = arith.muli %add3A_240, %mul3A_245 : i32
      %add3A_247 = arith.constant 64 : i32
      %add3A_248 = arith.addi %mul3A_246, %add3A_247 : i32
      %mul3A_249 = arith.constant 256 : i32
      %mul3A_250 = arith.muli %add3A_240, %mul3A_249 : i32
      %add3A_251 = arith.constant 128 : i32
      %add3A_252 = arith.addi %mul3A_250, %add3A_251 : i32
      %mul3A_253 = arith.constant 256 : i32
      %mul3A_254 = arith.muli %add3A_240, %mul3A_253 : i32
      %add3A_255 = arith.constant 192 : i32
      %add3A_256 = arith.addi %mul3A_254, %add3A_255 : i32
      %dma_start3A_257 = arith.constant 0 : i32
      %dma_start3A_258 = arith.constant 0 : i32
      %dma_start3A_259 = arith.constant 0 : i32
      %dma_start3A_260 = tpu.memref_slice %arg5[%dma_start3A_257, %dma_start3A_258, %dma_start3A_259] : memref<1x256x64xf32, #tpu.memory_space<vmem>> -> memref<1x64x64xf32, #tpu.memory_space<vmem>>
      %dma_start3A_261 = arith.constant 0 : i32
      %dma_start3A_262 = tpu.memref_slice %arg2[%add3A_16, %add3A_244, %dma_start3A_261] : memref<64x8192x64xf32, #tpu.memory_space<hbm>> -> memref<1x64x64xf32, #tpu.memory_space<hbm>>
      %dma_start3A_263 = arith.constant 0 : i32
      %dma_start3A_264 = arith.constant 0 : i32
      %dma_start3A_265 = arith.constant 0 : i32
      %dma_start3A_266 = tpu.memref_slice %arg5[%dma_start3A_263, %dma_start3A_264, %dma_start3A_265] : memref<1x256x64xf32, #tpu.memory_space<vmem>> -> memref<1x64x64xf32, #tpu.memory_space<vmem>>
      %dma_start3A_267 = arith.constant 0 : i32
      %dma_start3A_268 = tpu.memref_slice %arg2[%add3A_16, %add3A_244, %dma_start3A_267] : memref<64x8192x64xf32, #tpu.memory_space<hbm>> -> memref<1x64x64xf32, #tpu.memory_space<hbm>>
      tpu.enqueue_dma source(%dma_start3A_268 : memref<1x64x64xf32, #tpu.memory_space<hbm>>) target(%dma_start3A_266 : memref<1x64x64xf32, #tpu.memory_space<vmem>>) target_semaphore(%arg12 : memref<!tpu.dma_semaphore, #tpu.memory_space<semaphore_mem>>)
      %dma_start3A_269 = arith.constant 0 : i32
      %dma_start3A_270 = arith.constant 64 : i32
      %dma_start3A_271 = arith.constant 0 : i32
      %dma_start3A_272 = tpu.memref_slice %arg5[%dma_start3A_269, %dma_start3A_270, %dma_start3A_271] : memref<1x256x64xf32, #tpu.memory_space<vmem>> -> memref<1x64x64xf32, #tpu.memory_space<vmem>>
      %dma_start3A_273 = arith.constant 0 : i32
      %dma_start3A_274 = tpu.memref_slice %arg2[%add3A_16, %add3A_248, %dma_start3A_273] : memref<64x8192x64xf32, #tpu.memory_space<hbm>> -> memref<1x64x64xf32, #tpu.memory_space<hbm>>
      %dma_start3A_275 = arith.constant 0 : i32
      %dma_start3A_276 = arith.constant 64 : i32
      %dma_start3A_277 = arith.constant 0 : i32
      %dma_start3A_278 = tpu.memref_slice %arg5[%dma_start3A_275, %dma_start3A_276, %dma_start3A_277] : memref<1x256x64xf32, #tpu.memory_space<vmem>> -> memref<1x64x64xf32, #tpu.memory_space<vmem>>
      %dma_start3A_279 = arith.constant 0 : i32
      %dma_start3A_280 = tpu.memref_slice %arg2[%add3A_16, %add3A_248, %dma_start3A_279] : memref<64x8192x64xf32, #tpu.memory_space<hbm>> -> memref<1x64x64xf32, #tpu.memory_space<hbm>>
      tpu.enqueue_dma source(%dma_start3A_280 : memref<1x64x64xf32, #tpu.memory_space<hbm>>) target(%dma_start3A_278 : memref<1x64x64xf32, #tpu.memory_space<vmem>>) target_semaphore(%arg13 : memref<!tpu.dma_semaphore, #tpu.memory_space<semaphore_mem>>)
      %dma_start3A_281 = arith.constant 0 : i32
      %dma_start3A_282 = arith.constant 128 : i32
      %dma_start3A_283 = arith.constant 0 : i32
      %dma_start3A_284 = tpu.memref_slice %arg5[%dma_start3A_281, %dma_start3A_282, %dma_start3A_283] : memref<1x256x64xf32, #tpu.memory_space<vmem>> -> memref<1x64x64xf32, #tpu.memory_space<vmem>>
      %dma_start3A_285 = arith.constant 0 : i32
      %dma_start3A_286 = tpu.memref_slice %arg2[%add3A_16, %add3A_252, %dma_start3A_285] : memref<64x8192x64xf32, #tpu.memory_space<hbm>> -> memref<1x64x64xf32, #tpu.memory_space<hbm>>
      %dma_start3A_287 = arith.constant 0 : i32
      %dma_start3A_288 = arith.constant 128 : i32
      %dma_start3A_289 = arith.constant 0 : i32
      %dma_start3A_290 = tpu.memref_slice %arg5[%dma_start3A_287, %dma_start3A_288, %dma_start3A_289] : memref<1x256x64xf32, #tpu.memory_space<vmem>> -> memref<1x64x64xf32, #tpu.memory_space<vmem>>
      %dma_start3A_291 = arith.constant 0 : i32
      %dma_start3A_292 = tpu.memref_slice %arg2[%add3A_16, %add3A_252, %dma_start3A_291] : memref<64x8192x64xf32, #tpu.memory_space<hbm>> -> memref<1x64x64xf32, #tpu.memory_space<hbm>>
      tpu.enqueue_dma source(%dma_start3A_292 : memref<1x64x64xf32, #tpu.memory_space<hbm>>) target(%dma_start3A_290 : memref<1x64x64xf32, #tpu.memory_space<vmem>>) target_semaphore(%arg14 : memref<!tpu.dma_semaphore, #tpu.memory_space<semaphore_mem>>)
      %dma_start3A_293 = arith.constant 0 : i32
      %dma_start3A_294 = arith.constant 192 : i32
      %dma_start3A_295 = arith.constant 0 : i32
      %dma_start3A_296 = tpu.memref_slice %arg5[%dma_start3A_293, %dma_start3A_294, %dma_start3A_295] : memref<1x256x64xf32, #tpu.memory_space<vmem>> -> memref<1x64x64xf32, #tpu.memory_space<vmem>>
      %dma_start3A_297 = arith.constant 0 : i32
      %dma_start3A_298 = tpu.memref_slice %arg2[%add3A_16, %add3A_256, %dma_start3A_297] : memref<64x8192x64xf32, #tpu.memory_space<hbm>> -> memref<1x64x64xf32, #tpu.memory_space<hbm>>
      %dma_start3A_299 = arith.constant 0 : i32
      %dma_start3A_300 = arith.constant 192 : i32
      %dma_start3A_301 = arith.constant 0 : i32
      %dma_start3A_302 = tpu.memref_slice %arg5[%dma_start3A_299, %dma_start3A_300, %dma_start3A_301] : memref<1x256x64xf32, #tpu.memory_space<vmem>> -> memref<1x64x64xf32, #tpu.memory_space<vmem>>
      %dma_start3A_303 = arith.constant 0 : i32
      %dma_start3A_304 = tpu.memref_slice %arg2[%add3A_16, %add3A_256, %dma_start3A_303] : memref<64x8192x64xf32, #tpu.memory_space<hbm>> -> memref<1x64x64xf32, #tpu.memory_space<hbm>>
      tpu.enqueue_dma source(%dma_start3A_304 : memref<1x64x64xf32, #tpu.memory_space<hbm>>) target(%dma_start3A_302 : memref<1x64x64xf32, #tpu.memory_space<vmem>>) target_semaphore(%arg15 : memref<!tpu.dma_semaphore, #tpu.memory_space<semaphore_mem>>)
      %scan3A_305 = arith.constant 0 : i32
      %scan3A_306 = arith.constant 32 : i32
      %scan3A_307 = arith.addi %scan3A_305, %scan3A_306 : i32
      %scan3A_308 = arith.constant 1 : i32
      %scan3A_309:16 = scf.for %scan3A_388 = %scan3A_305 to %scan3A_307 step %scan3A_308 iter_args(%scan3A_389 = %scan3A_158, %scan3A_390 = %scan3A_159, %scan3A_391 = %scan3A_160, %scan3A_392 = %scan3A_161, %scan3A_393 = %scan3A_162, %scan3A_394 = %scan3A_163, %scan3A_395 = %scan3A_164, %scan3A_396 = %scan3A_165, %scan3A_397 = %scan3A_166, %scan3A_398 = %scan3A_167, %scan3A_399 = %scan3A_168, %scan3A_400 = %scan3A_169, %scan3A_401 = %scan3A_170, %scan3A_402 = %scan3A_171, %scan3A_403 = %scan3A_172, %scan3A_404 = %scan3A_173) -> (vector<16xf32>, vector<16xf32>, vector<16xf32>, vector<16xf32>, vector<16xf32>, vector<16xf32>, vector<16xf32>, vector<16xf32>, vector<16xi32>, vector<16xi32>, vector<16xi32>, vector<16xi32>, vector<16xi32>, vector<16xi32>, vector<16xi32>, vector<16xi32>)  : i32 {
        %add3A_405 = arith.constant 0 : i32
        %add3A_406 = arith.addi %add3A_405, %scan3A_388 : i32
        %get3A_407 = arith.constant 0 : i32
        %get3A_408 = arith.index_cast %get3A_407 : i32 to index
        %get3A_409 = arith.index_cast %add3A_406 : i32 to index
        %get3A_410 = arith.constant 0 : index
        %get3A_411 = tpu.vector_load %arg4[%get3A_408, %get3A_409, %get3A_410] {strides = array<i32>} : memref<1x256x64xf32, #tpu.memory_space<vmem>>, vector<1x1x16xf32>,
        %get3A_412 = vector.shape_cast %get3A_411 : vector<1x1x16xf32> to vector<16xf32>
        %get3A_413 = arith.constant 0 : i32
        %get3A_414 = arith.index_cast %get3A_413 : i32 to index
        %get3A_415 = arith.index_cast %add3A_406 : i32 to index
        %get3A_416 = arith.constant 16 : index
        %get3A_417 = tpu.vector_load %arg4[%get3A_414, %get3A_415, %get3A_416] {strides = array<i32>} : memref<1x256x64xf32, #tpu.memory_space<vmem>>, vector<1x1x16xf32>,
        %get3A_418 = vector.shape_cast %get3A_417 : vector<1x1x16xf32> to vector<16xf32>
        %get3A_419 = arith.constant 0 : i32
        %get3A_420 = arith.index_cast %get3A_419 : i32 to index
        %get3A_421 = arith.index_cast %add3A_406 : i32 to index
        %get3A_422 = arith.constant 32 : index
        %get3A_423 = tpu.vector_load %arg4[%get3A_420, %get3A_421, %get3A_422] {strides = array<i32>} : memref<1x256x64xf32, #tpu.memory_space<vmem>>, vector<1x1x16xf32>,
        %get3A_424 = vector.shape_cast %get3A_423 : vector<1x1x16xf32> to vector<16xf32>
        %get3A_425 = arith.constant 0 : i32
        %get3A_426 = arith.index_cast %get3A_425 : i32 to index
        %get3A_427 = arith.index_cast %add3A_406 : i32 to index
        %get3A_428 = arith.constant 48 : index
        %get3A_429 = tpu.vector_load %arg4[%get3A_426, %get3A_427, %get3A_428] {strides = array<i32>} : memref<1x256x64xf32, #tpu.memory_space<vmem>>, vector<1x1x16xf32>,
        %get3A_430 = vector.shape_cast %get3A_429 : vector<1x1x16xf32> to vector<16xf32>
        %mul3A_431 = arith.mulf %get3A_412, %get3A_412 : vector<16xf32>
        %mul3A_432 = arith.mulf %get3A_418, %get3A_418 : vector<16xf32>
        %add3A_433 = arith.addf %mul3A_431, %mul3A_432 : vector<16xf32>
        %mul3A_434 = arith.mulf %get3A_424, %get3A_424 : vector<16xf32>
        %mul3A_435 = arith.mulf %get3A_430, %get3A_430 : vector<16xf32>
        %add3A_436 = arith.addf %mul3A_434, %mul3A_435 : vector<16xf32>
        %add3A_437 = arith.addf %add3A_433, %add3A_436 : vector<16xf32>
        %gather3A = vector.shape_cast %broadcast_in_dim3A : vector<16x1xi32> to vector<16xi32>
        %gather3A_438 = tpu.dynamic_gather %add3A_437[%gather3A] in [0] : vector<16xf32>, vector<16xi32> -> vector<16xf32>
        %add3A_439 = arith.addf %add3A_437, %gather3A_438 : vector<16xf32>
        %gather3A_440 = vector.shape_cast %broadcast_in_dim3A_6 : vector<16x1xi32> to vector<16xi32>
        %gather3A_441 = tpu.dynamic_gather %add3A_439[%gather3A_440] in [0] : vector<16xf32>, vector<16xi32> -> vector<16xf32>
        %add3A_442 = arith.addf %add3A_439, %gather3A_441 : vector<16xf32>
        %gather3A_443 = vector.shape_cast %broadcast_in_dim3A_10 : vector<16x1xi32> to vector<16xi32>
        %gather3A_444 = tpu.dynamic_gather %add3A_442[%gather3A_443] in [0] : vector<16xf32>, vector<16xi32> -> vector<16xf32>
        %add3A_445 = arith.addf %add3A_442, %gather3A_444 : vector<16xf32>
        %gather3A_446 = vector.shape_cast %broadcast_in_dim3A_14 : vector<16x1xi32> to vector<16xi32>
        %gather3A_447 = tpu.dynamic_gather %add3A_445[%gather3A_446] in [0] : vector<16xf32>, vector<16xi32> -> vector<16xf32>
        %add3A_448 = arith.addf %add3A_445, %gather3A_447 : vector<16xf32>
        %gt3A_449 = arith.cmpf ogt, %add3A_448, %scan3A_389 : vector<16xf32>
        %select_n3A_450 = arith.select %gt3A_449, %add3A_448, %scan3A_389 : vector<16xi1>, vector<16xf32>
        %mul3A_451 = arith.constant 256 : i32
        %mul3A_452 = arith.muli %mul3A_175, %mul3A_451 : i32
        %add3A_453 = arith.addi %mul3A_452, %add3A_406 : i32
        %broadcast_in_dim3A_454 = vector.broadcast %add3A_453 : i32 to vector<16xi32>
        %select_n3A_455 = arith.select %gt3A_449, %broadcast_in_dim3A_454, %scan3A_397 : vector<16xi1>, vector<16xi32>
        %add3A_456 = arith.constant 32 : i32
        %add3A_457 = arith.addi %add3A_456, %scan3A_388 : i32
        %get3A_458 = arith.constant 0 : i32
        %get3A_459 = arith.index_cast %get3A_458 : i32 to index
        %get3A_460 = arith.index_cast %add3A_457 : i32 to index
        %get3A_461 = arith.constant 0 : index
        %get3A_462 = tpu.vector_load %arg4[%get3A_459, %get3A_460, %get3A_461] {strides = array<i32>} : memref<1x256x64xf32, #tpu.memory_space<vmem>>, vector<1x1x16xf32>,
        %get3A_463 = vector.shape_cast %get3A_462 : vector<1x1x16xf32> to vector<16xf32>
        %get3A_464 = arith.constant 0 : i32
        %get3A_465 = arith.index_cast %get3A_464 : i32 to index
        %get3A_466 = arith.index_cast %add3A_457 : i32 to index
        %get3A_467 = arith.constant 16 : index
        %get3A_468 = tpu.vector_load %arg4[%get3A_465, %get3A_466, %get3A_467] {strides = array<i32>} : memref<1x256x64xf32, #tpu.memory_space<vmem>>, vector<1x1x16xf32>,
        %get3A_469 = vector.shape_cast %get3A_468 : vector<1x1x16xf32> to vector<16xf32>
        %get3A_470 = arith.constant 0 : i32
        %get3A_471 = arith.index_cast %get3A_470 : i32 to index
        %get3A_472 = arith.index_cast %add3A_457 : i32 to index
        %get3A_473 = arith.constant 32 : index
        %get3A_474 = tpu.vector_load %arg4[%get3A_471, %get3A_472, %get3A_473] {strides = array<i32>} : memref<1x256x64xf32, #tpu.memory_space<vmem>>, vector<1x1x16xf32>,
        %get3A_475 = vector.shape_cast %get3A_474 : vector<1x1x16xf32> to vector<16xf32>
        %get3A_476 = arith.constant 0 : i32
        %get3A_477 = arith.index_cast %get3A_476 : i32 to index
        %get3A_478 = arith.index_cast %add3A_457 : i32 to index
        %get3A_479 = arith.constant 48 : index
        %get3A_480 = tpu.vector_load %arg4[%get3A_477, %get3A_478, %get3A_479] {strides = array<i32>} : memref<1x256x64xf32, #tpu.memory_space<vmem>>, vector<1x1x16xf32>,
        %get3A_481 = vector.shape_cast %get3A_480 : vector<1x1x16xf32> to vector<16xf32>
        %mul3A_482 = arith.mulf %get3A_463, %get3A_463 : vector<16xf32>
        %mul3A_483 = arith.mulf %get3A_469, %get3A_469 : vector<16xf32>
        %add3A_484 = arith.addf %mul3A_482, %mul3A_483 : vector<16xf32>
        %mul3A_485 = arith.mulf %get3A_475, %get3A_475 : vector<16xf32>
        %mul3A_486 = arith.mulf %get3A_481, %get3A_481 : vector<16xf32>
        %add3A_487 = arith.addf %mul3A_485, %mul3A_486 : vector<16xf32>
        %add3A_488 = arith.addf %add3A_484, %add3A_487 : vector<16xf32>
        %gather3A_489 = vector.shape_cast %broadcast_in_dim3A : vector<16x1xi32> to vector<16xi32>
        %gather3A_490 = tpu.dynamic_gather %add3A_488[%gather3A_489] in [0] : vector<16xf32>, vector<16xi32> -> vector<16xf32>
        %add3A_491 = arith.addf %add3A_488, %gather3A_490 : vector<16xf32>
        %gather3A_492 = vector.shape_cast %broadcast_in_dim3A_6 : vector<16x1xi32> to vector<16xi32>
        %gather3A_493 = tpu.dynamic_gather %add3A_491[%gather3A_492] in [0] : vector<16xf32>, vector<16xi32> -> vector<16xf32>
        %add3A_494 = arith.addf %add3A_491, %gather3A_493 : vector<16xf32>
        %gather3A_495 = vector.shape_cast %broadcast_in_dim3A_10 : vector<16x1xi32> to vector<16xi32>
        %gather3A_496 = tpu.dynamic_gather %add3A_494[%gather3A_495] in [0] : vector<16xf32>, vector<16xi32> -> vector<16xf32>
        %add3A_497 = arith.addf %add3A_494, %gather3A_496 : vector<16xf32>
        %gather3A_498 = vector.shape_cast %broadcast_in_dim3A_14 : vector<16x1xi32> to vector<16xi32>
        %gather3A_499 = tpu.dynamic_gather %add3A_497[%gather3A_498] in [0] : vector<16xf32>, vector<16xi32> -> vector<16xf32>
        %add3A_500 = arith.addf %add3A_497, %gather3A_499 : vector<16xf32>
        %gt3A_501 = arith.cmpf ogt, %add3A_500, %scan3A_390 : vector<16xf32>
        %select_n3A_502 = arith.select %gt3A_501, %add3A_500, %scan3A_390 : vector<16xi1>, vector<16xf32>
        %mul3A_503 = arith.constant 256 : i32
        %mul3A_504 = arith.muli %mul3A_175, %mul3A_503 : i32
        %add3A_505 = arith.addi %mul3A_504, %add3A_457 : i32
        %broadcast_in_dim3A_506 = vector.broadcast %add3A_505 : i32 to vector<16xi32>
        %select_n3A_507 = arith.select %gt3A_501, %broadcast_in_dim3A_506, %scan3A_398 : vector<16xi1>, vector<16xi32>
        %add3A_508 = arith.constant 64 : i32
        %add3A_509 = arith.addi %add3A_508, %scan3A_388 : i32
        %get3A_510 = arith.constant 0 : i32
        %get3A_511 = arith.index_cast %get3A_510 : i32 to index
        %get3A_512 = arith.index_cast %add3A_509 : i32 to index
        %get3A_513 = arith.constant 0 : index
        %get3A_514 = tpu.vector_load %arg4[%get3A_511, %get3A_512, %get3A_513] {strides = array<i32>} : memref<1x256x64xf32, #tpu.memory_space<vmem>>, vector<1x1x16xf32>,
        %get3A_515 = vector.shape_cast %get3A_514 : vector<1x1x16xf32> to vector<16xf32>
        %get3A_516 = arith.constant 0 : i32
        %get3A_517 = arith.index_cast %get3A_516 : i32 to index
        %get3A_518 = arith.index_cast %add3A_509 : i32 to index
        %get3A_519 = arith.constant 16 : index
        %get3A_520 = tpu.vector_load %arg4[%get3A_517, %get3A_518, %get3A_519] {strides = array<i32>} : memref<1x256x64xf32, #tpu.memory_space<vmem>>, vector<1x1x16xf32>,
        %get3A_521 = vector.shape_cast %get3A_520 : vector<1x1x16xf32> to vector<16xf32>
        %get3A_522 = arith.constant 0 : i32
        %get3A_523 = arith.index_cast %get3A_522 : i32 to index
        %get3A_524 = arith.index_cast %add3A_509 : i32 to index
        %get3A_525 = arith.constant 32 : index
        %get3A_526 = tpu.vector_load %arg4[%get3A_523, %get3A_524, %get3A_525] {strides = array<i32>} : memref<1x256x64xf32, #tpu.memory_space<vmem>>, vector<1x1x16xf32>,
        %get3A_527 = vector.shape_cast %get3A_526 : vector<1x1x16xf32> to vector<16xf32>
        %get3A_528 = arith.constant 0 : i32
        %get3A_529 = arith.index_cast %get3A_528 : i32 to index
        %get3A_530 = arith.index_cast %add3A_509 : i32 to index
        %get3A_531 = arith.constant 48 : index
        %get3A_532 = tpu.vector_load %arg4[%get3A_529, %get3A_530, %get3A_531] {strides = array<i32>} : memref<1x256x64xf32, #tpu.memory_space<vmem>>, vector<1x1x16xf32>,
        %get3A_533 = vector.shape_cast %get3A_532 : vector<1x1x16xf32> to vector<16xf32>
        %mul3A_534 = arith.mulf %get3A_515, %get3A_515 : vector<16xf32>
        %mul3A_535 = arith.mulf %get3A_521, %get3A_521 : vector<16xf32>
        %add3A_536 = arith.addf %mul3A_534, %mul3A_535 : vector<16xf32>
        %mul3A_537 = arith.mulf %get3A_527, %get3A_527 : vector<16xf32>
        %mul3A_538 = arith.mulf %get3A_533, %get3A_533 : vector<16xf32>
        %add3A_539 = arith.addf %mul3A_537, %mul3A_538 : vector<16xf32>
        %add3A_540 = arith.addf %add3A_536, %add3A_539 : vector<16xf32>
        %gather3A_541 = vector.shape_cast %broadcast_in_dim3A : vector<16x1xi32> to vector<16xi32>
        %gather3A_542 = tpu.dynamic_gather %add3A_540[%gather3A_541] in [0] : vector<16xf32>, vector<16xi32> -> vector<16xf32>
        %add3A_543 = arith.addf %add3A_540, %gather3A_542 : vector<16xf32>
        %gather3A_544 = vector.shape_cast %broadcast_in_dim3A_6 : vector<16x1xi32> to vector<16xi32>
        %gather3A_545 = tpu.dynamic_gather %add3A_543[%gather3A_544] in [0] : vector<16xf32>, vector<16xi32> -> vector<16xf32>
        %add3A_546 = arith.addf %add3A_543, %gather3A_545 : vector<16xf32>
        %gather3A_547 = vector.shape_cast %broadcast_in_dim3A_10 : vector<16x1xi32> to vector<16xi32>
        %gather3A_548 = tpu.dynamic_gather %add3A_546[%gather3A_547] in [0] : vector<16xf32>, vector<16xi32> -> vector<16xf32>
        %add3A_549 = arith.addf %add3A_546, %gather3A_548 : vector<16xf32>
        %gather3A_550 = vector.shape_cast %broadcast_in_dim3A_14 : vector<16x1xi32> to vector<16xi32>
        %gather3A_551 = tpu.dynamic_gather %add3A_549[%gather3A_550] in [0] : vector<16xf32>, vector<16xi32> -> vector<16xf32>
        %add3A_552 = arith.addf %add3A_549, %gather3A_551 : vector<16xf32>
        %gt3A_553 = arith.cmpf ogt, %add3A_552, %scan3A_391 : vector<16xf32>
        %select_n3A_554 = arith.select %gt3A_553, %add3A_552, %scan3A_391 : vector<16xi1>, vector<16xf32>
        %mul3A_555 = arith.constant 256 : i32
        %mul3A_556 = arith.muli %mul3A_175, %mul3A_555 : i32
        %add3A_557 = arith.addi %mul3A_556, %add3A_509 : i32
        %broadcast_in_dim3A_558 = vector.broadcast %add3A_557 : i32 to vector<16xi32>
        %select_n3A_559 = arith.select %gt3A_553, %broadcast_in_dim3A_558, %scan3A_399 : vector<16xi1>, vector<16xi32>
        %add3A_560 = arith.constant 96 : i32
        %add3A_561 = arith.addi %add3A_560, %scan3A_388 : i32
        %get3A_562 = arith.constant 0 : i32
        %get3A_563 = arith.index_cast %get3A_562 : i32 to index
        %get3A_564 = arith.index_cast %add3A_561 : i32 to index
        %get3A_565 = arith.constant 0 : index
        %get3A_566 = tpu.vector_load %arg4[%get3A_563, %get3A_564, %get3A_565] {strides = array<i32>} : memref<1x256x64xf32, #tpu.memory_space<vmem>>, vector<1x1x16xf32>,
        %get3A_567 = vector.shape_cast %get3A_566 : vector<1x1x16xf32> to vector<16xf32>
        %get3A_568 = arith.constant 0 : i32
        %get3A_569 = arith.index_cast %get3A_568 : i32 to index
        %get3A_570 = arith.index_cast %add3A_561 : i32 to index
        %get3A_571 = arith.constant 16 : index
        %get3A_572 = tpu.vector_load %arg4[%get3A_569, %get3A_570, %get3A_571] {strides = array<i32>} : memref<1x256x64xf32, #tpu.memory_space<vmem>>, vector<1x1x16xf32>,
        %get3A_573 = vector.shape_cast %get3A_572 : vector<1x1x16xf32> to vector<16xf32>
        %get3A_574 = arith.constant 0 : i32
        %get3A_575 = arith.index_cast %get3A_574 : i32 to index
        %get3A_576 = arith.index_cast %add3A_561 : i32 to index
        %get3A_577 = arith.constant 32 : index
        %get3A_578 = tpu.vector_load %arg4[%get3A_575, %get3A_576, %get3A_577] {strides = array<i32>} : memref<1x256x64xf32, #tpu.memory_space<vmem>>, vector<1x1x16xf32>,
        %get3A_579 = vector.shape_cast %get3A_578 : vector<1x1x16xf32> to vector<16xf32>
        %get3A_580 = arith.constant 0 : i32
        %get3A_581 = arith.index_cast %get3A_580 : i32 to index
        %get3A_582 = arith.index_cast %add3A_561 : i32 to index
        %get3A_583 = arith.constant 48 : index
        %get3A_584 = tpu.vector_load %arg4[%get3A_581, %get3A_582, %get3A_583] {strides = array<i32>} : memref<1x256x64xf32, #tpu.memory_space<vmem>>, vector<1x1x16xf32>,
        %get3A_585 = vector.shape_cast %get3A_584 : vector<1x1x16xf32> to vector<16xf32>
        %mul3A_586 = arith.mulf %get3A_567, %get3A_567 : vector<16xf32>
        %mul3A_587 = arith.mulf %get3A_573, %get3A_573 : vector<16xf32>
        %add3A_588 = arith.addf %mul3A_586, %mul3A_587 : vector<16xf32>
        %mul3A_589 = arith.mulf %get3A_579, %get3A_579 : vector<16xf32>
        %mul3A_590 = arith.mulf %get3A_585, %get3A_585 : vector<16xf32>
        %add3A_591 = arith.addf %mul3A_589, %mul3A_590 : vector<16xf32>
        %add3A_592 = arith.addf %add3A_588, %add3A_591 : vector<16xf32>
        %gather3A_593 = vector.shape_cast %broadcast_in_dim3A : vector<16x1xi32> to vector<16xi32>
        %gather3A_594 = tpu.dynamic_gather %add3A_592[%gather3A_593] in [0] : vector<16xf32>, vector<16xi32> -> vector<16xf32>
        %add3A_595 = arith.addf %add3A_592, %gather3A_594 : vector<16xf32>
        %gather3A_596 = vector.shape_cast %broadcast_in_dim3A_6 : vector<16x1xi32> to vector<16xi32>
        %gather3A_597 = tpu.dynamic_gather %add3A_595[%gather3A_596] in [0] : vector<16xf32>, vector<16xi32> -> vector<16xf32>
        %add3A_598 = arith.addf %add3A_595, %gather3A_597 : vector<16xf32>
        %gather3A_599 = vector.shape_cast %broadcast_in_dim3A_10 : vector<16x1xi32> to vector<16xi32>
        %gather3A_600 = tpu.dynamic_gather %add3A_598[%gather3A_599] in [0] : vector<16xf32>, vector<16xi32> -> vector<16xf32>
        %add3A_601 = arith.addf %add3A_598, %gather3A_600 : vector<16xf32>
        %gather3A_602 = vector.shape_cast %broadcast_in_dim3A_14 : vector<16x1xi32> to vector<16xi32>
        %gather3A_603 = tpu.dynamic_gather %add3A_601[%gather3A_602] in [0] : vector<16xf32>, vector<16xi32> -> vector<16xf32>
        %add3A_604 = arith.addf %add3A_601, %gather3A_603 : vector<16xf32>
        %gt3A_605 = arith.cmpf ogt, %add3A_604, %scan3A_392 : vector<16xf32>
        %select_n3A_606 = arith.select %gt3A_605, %add3A_604, %scan3A_392 : vector<16xi1>, vector<16xf32>
        %mul3A_607 = arith.constant 256 : i32
        %mul3A_608 = arith.muli %mul3A_175, %mul3A_607 : i32
        %add3A_609 = arith.addi %mul3A_608, %add3A_561 : i32
        %broadcast_in_dim3A_610 = vector.broadcast %add3A_609 : i32 to vector<16xi32>
        %select_n3A_611 = arith.select %gt3A_605, %broadcast_in_dim3A_610, %scan3A_400 : vector<16xi1>, vector<16xi32>
        %add3A_612 = arith.constant 128 : i32
        %add3A_613 = arith.addi %add3A_612, %scan3A_388 : i32
        %get3A_614 = arith.constant 0 : i32
        %get3A_615 = arith.index_cast %get3A_614 : i32 to index
        %get3A_616 = arith.index_cast %add3A_613 : i32 to index
        %get3A_617 = arith.constant 0 : index
        %get3A_618 = tpu.vector_load %arg4[%get3A_615, %get3A_616, %get3A_617] {strides = array<i32>} : memref<1x256x64xf32, #tpu.memory_space<vmem>>, vector<1x1x16xf32>,
        %get3A_619 = vector.shape_cast %get3A_618 : vector<1x1x16xf32> to vector<16xf32>
        %get3A_620 = arith.constant 0 : i32
        %get3A_621 = arith.index_cast %get3A_620 : i32 to index
        %get3A_622 = arith.index_cast %add3A_613 : i32 to index
        %get3A_623 = arith.constant 16 : index
        %get3A_624 = tpu.vector_load %arg4[%get3A_621, %get3A_622, %get3A_623] {strides = array<i32>} : memref<1x256x64xf32, #tpu.memory_space<vmem>>, vector<1x1x16xf32>,
        %get3A_625 = vector.shape_cast %get3A_624 : vector<1x1x16xf32> to vector<16xf32>
        %get3A_626 = arith.constant 0 : i32
        %get3A_627 = arith.index_cast %get3A_626 : i32 to index
        %get3A_628 = arith.index_cast %add3A_613 : i32 to index
        %get3A_629 = arith.constant 32 : index
        %get3A_630 = tpu.vector_load %arg4[%get3A_627, %get3A_628, %get3A_629] {strides = array<i32>} : memref<1x256x64xf32, #tpu.memory_space<vmem>>, vector<1x1x16xf32>,
        %get3A_631 = vector.shape_cast %get3A_630 : vector<1x1x16xf32> to vector<16xf32>
        %get3A_632 = arith.constant 0 : i32
        %get3A_633 = arith.index_cast %get3A_632 : i32 to index
        %get3A_634 = arith.index_cast %add3A_613 : i32 to index
        %get3A_635 = arith.constant 48 : index
        %get3A_636 = tpu.vector_load %arg4[%get3A_633, %get3A_634, %get3A_635] {strides = array<i32>} : memref<1x256x64xf32, #tpu.memory_space<vmem>>, vector<1x1x16xf32>,
        %get3A_637 = vector.shape_cast %get3A_636 : vector<1x1x16xf32> to vector<16xf32>
        %mul3A_638 = arith.mulf %get3A_619, %get3A_619 : vector<16xf32>
        %mul3A_639 = arith.mulf %get3A_625, %get3A_625 : vector<16xf32>
        %add3A_640 = arith.addf %mul3A_638, %mul3A_639 : vector<16xf32>
        %mul3A_641 = arith.mulf %get3A_631, %get3A_631 : vector<16xf32>
        %mul3A_642 = arith.mulf %get3A_637, %get3A_637 : vector<16xf32>
        %add3A_643 = arith.addf %mul3A_641, %mul3A_642 : vector<16xf32>
        %add3A_644 = arith.addf %add3A_640, %add3A_643 : vector<16xf32>
        %gather3A_645 = vector.shape_cast %broadcast_in_dim3A : vector<16x1xi32> to vector<16xi32>
        %gather3A_646 = tpu.dynamic_gather %add3A_644[%gather3A_645] in [0] : vector<16xf32>, vector<16xi32> -> vector<16xf32>
        %add3A_647 = arith.addf %add3A_644, %gather3A_646 : vector<16xf32>
        %gather3A_648 = vector.shape_cast %broadcast_in_dim3A_6 : vector<16x1xi32> to vector<16xi32>
        %gather3A_649 = tpu.dynamic_gather %add3A_647[%gather3A_648] in [0] : vector<16xf32>, vector<16xi32> -> vector<16xf32>
        %add3A_650 = arith.addf %add3A_647, %gather3A_649 : vector<16xf32>
        %gather3A_651 = vector.shape_cast %broadcast_in_dim3A_10 : vector<16x1xi32> to vector<16xi32>
        %gather3A_652 = tpu.dynamic_gather %add3A_650[%gather3A_651] in [0] : vector<16xf32>, vector<16xi32> -> vector<16xf32>
        %add3A_653 = arith.addf %add3A_650, %gather3A_652 : vector<16xf32>
        %gather3A_654 = vector.shape_cast %broadcast_in_dim3A_14 : vector<16x1xi32> to vector<16xi32>
        %gather3A_655 = tpu.dynamic_gather %add3A_653[%gather3A_654] in [0] : vector<16xf32>, vector<16xi32> -> vector<16xf32>
        %add3A_656 = arith.addf %add3A_653, %gather3A_655 : vector<16xf32>
        %gt3A_657 = arith.cmpf ogt, %add3A_656, %scan3A_393 : vector<16xf32>
        %select_n3A_658 = arith.select %gt3A_657, %add3A_656, %scan3A_393 : vector<16xi1>, vector<16xf32>
        %mul3A_659 = arith.constant 256 : i32
        %mul3A_660 = arith.muli %mul3A_175, %mul3A_659 : i32
        %add3A_661 = arith.addi %mul3A_660, %add3A_613 : i32
        %broadcast_in_dim3A_662 = vector.broadcast %add3A_661 : i32 to vector<16xi32>
        %select_n3A_663 = arith.select %gt3A_657, %broadcast_in_dim3A_662, %scan3A_401 : vector<16xi1>, vector<16xi32>
        %add3A_664 = arith.constant 160 : i32
        %add3A_665 = arith.addi %add3A_664, %scan3A_388 : i32
        %get3A_666 = arith.constant 0 : i32
        %get3A_667 = arith.index_cast %get3A_666 : i32 to index
        %get3A_668 = arith.index_cast %add3A_665 : i32 to index
        %get3A_669 = arith.constant 0 : index
        %get3A_670 = tpu.vector_load %arg4[%get3A_667, %get3A_668, %get3A_669] {strides = array<i32>} : memref<1x256x64xf32, #tpu.memory_space<vmem>>, vector<1x1x16xf32>,
        %get3A_671 = vector.shape_cast %get3A_670 : vector<1x1x16xf32> to vector<16xf32>
        %get3A_672 = arith.constant 0 : i32
        %get3A_673 = arith.index_cast %get3A_672 : i32 to index
        %get3A_674 = arith.index_cast %add3A_665 : i32 to index
        %get3A_675 = arith.constant 16 : index
        %get3A_676 = tpu.vector_load %arg4[%get3A_673, %get3A_674, %get3A_675] {strides = array<i32>} : memref<1x256x64xf32, #tpu.memory_space<vmem>>, vector<1x1x16xf32>,
        %get3A_677 = vector.shape_cast %get3A_676 : vector<1x1x16xf32> to vector<16xf32>
        %get3A_678 = arith.constant 0 : i32
        %get3A_679 = arith.index_cast %get3A_678 : i32 to index
        %get3A_680 = arith.index_cast %add3A_665 : i32 to index
        %get3A_681 = arith.constant 32 : index
        %get3A_682 = tpu.vector_load %arg4[%get3A_679, %get3A_680, %get3A_681] {strides = array<i32>} : memref<1x256x64xf32, #tpu.memory_space<vmem>>, vector<1x1x16xf32>,
        %get3A_683 = vector.shape_cast %get3A_682 : vector<1x1x16xf32> to vector<16xf32>
        %get3A_684 = arith.constant 0 : i32
        %get3A_685 = arith.index_cast %get3A_684 : i32 to index
        %get3A_686 = arith.index_cast %add3A_665 : i32 to index
        %get3A_687 = arith.constant 48 : index
        %get3A_688 = tpu.vector_load %arg4[%get3A_685, %get3A_686, %get3A_687] {strides = array<i32>} : memref<1x256x64xf32, #tpu.memory_space<vmem>>, vector<1x1x16xf32>,
        %get3A_689 = vector.shape_cast %get3A_688 : vector<1x1x16xf32> to vector<16xf32>
        %mul3A_690 = arith.mulf %get3A_671, %get3A_671 : vector<16xf32>
        %mul3A_691 = arith.mulf %get3A_677, %get3A_677 : vector<16xf32>
        %add3A_692 = arith.addf %mul3A_690, %mul3A_691 : vector<16xf32>
        %mul3A_693 = arith.mulf %get3A_683, %get3A_683 : vector<16xf32>
        %mul3A_694 = arith.mulf %get3A_689, %get3A_689 : vector<16xf32>
        %add3A_695 = arith.addf %mul3A_693, %mul3A_694 : vector<16xf32>
        %add3A_696 = arith.addf %add3A_692, %add3A_695 : vector<16xf32>
        %gather3A_697 = vector.shape_cast %broadcast_in_dim3A : vector<16x1xi32> to vector<16xi32>
        %gather3A_698 = tpu.dynamic_gather %add3A_696[%gather3A_697] in [0] : vector<16xf32>, vector<16xi32> -> vector<16xf32>
        %add3A_699 = arith.addf %add3A_696, %gather3A_698 : vector<16xf32>
        %gather3A_700 = vector.shape_cast %broadcast_in_dim3A_6 : vector<16x1xi32> to vector<16xi32>
        %gather3A_701 = tpu.dynamic_gather %add3A_699[%gather3A_700] in [0] : vector<16xf32>, vector<16xi32> -> vector<16xf32>
        %add3A_702 = arith.addf %add3A_699, %gather3A_701 : vector<16xf32>
        %gather3A_703 = vector.shape_cast %broadcast_in_dim3A_10 : vector<16x1xi32> to vector<16xi32>
        %gather3A_704 = tpu.dynamic_gather %add3A_702[%gather3A_703] in [0] : vector<16xf32>, vector<16xi32> -> vector<16xf32>
        %add3A_705 = arith.addf %add3A_702, %gather3A_704 : vector<16xf32>
        %gather3A_706 = vector.shape_cast %broadcast_in_dim3A_14 : vector<16x1xi32> to vector<16xi32>
        %gather3A_707 = tpu.dynamic_gather %add3A_705[%gather3A_706] in [0] : vector<16xf32>, vector<16xi32> -> vector<16xf32>
        %add3A_708 = arith.addf %add3A_705, %gather3A_707 : vector<16xf32>
        %gt3A_709 = arith.cmpf ogt, %add3A_708, %scan3A_394 : vector<16xf32>
        %select_n3A_710 = arith.select %gt3A_709, %add3A_708, %scan3A_394 : vector<16xi1>, vector<16xf32>
        %mul3A_711 = arith.constant 256 : i32
        %mul3A_712 = arith.muli %mul3A_175, %mul3A_711 : i32
        %add3A_713 = arith.addi %mul3A_712, %add3A_665 : i32
        %broadcast_in_dim3A_714 = vector.broadcast %add3A_713 : i32 to vector<16xi32>
        %select_n3A_715 = arith.select %gt3A_709, %broadcast_in_dim3A_714, %scan3A_402 : vector<16xi1>, vector<16xi32>
        %add3A_716 = arith.constant 192 : i32
        %add3A_717 = arith.addi %add3A_716, %scan3A_388 : i32
        %get3A_718 = arith.constant 0 : i32
        %get3A_719 = arith.index_cast %get3A_718 : i32 to index
        %get3A_720 = arith.index_cast %add3A_717 : i32 to index
        %get3A_721 = arith.constant 0 : index
        %get3A_722 = tpu.vector_load %arg4[%get3A_719, %get3A_720, %get3A_721] {strides = array<i32>} : memref<1x256x64xf32, #tpu.memory_space<vmem>>, vector<1x1x16xf32>,
        %get3A_723 = vector.shape_cast %get3A_722 : vector<1x1x16xf32> to vector<16xf32>
        %get3A_724 = arith.constant 0 : i32
        %get3A_725 = arith.index_cast %get3A_724 : i32 to index
        %get3A_726 = arith.index_cast %add3A_717 : i32 to index
        %get3A_727 = arith.constant 16 : index
        %get3A_728 = tpu.vector_load %arg4[%get3A_725, %get3A_726, %get3A_727] {strides = array<i32>} : memref<1x256x64xf32, #tpu.memory_space<vmem>>, vector<1x1x16xf32>,
        %get3A_729 = vector.shape_cast %get3A_728 : vector<1x1x16xf32> to vector<16xf32>
        %get3A_730 = arith.constant 0 : i32
        %get3A_731 = arith.index_cast %get3A_730 : i32 to index
        %get3A_732 = arith.index_cast %add3A_717 : i32 to index
        %get3A_733 = arith.constant 32 : index
        %get3A_734 = tpu.vector_load %arg4[%get3A_731, %get3A_732, %get3A_733] {strides = array<i32>} : memref<1x256x64xf32, #tpu.memory_space<vmem>>, vector<1x1x16xf32>,
        %get3A_735 = vector.shape_cast %get3A_734 : vector<1x1x16xf32> to vector<16xf32>
        %get3A_736 = arith.constant 0 : i32
        %get3A_737 = arith.index_cast %get3A_736 : i32 to index
        %get3A_738 = arith.index_cast %add3A_717 : i32 to index
        %get3A_739 = arith.constant 48 : index
        %get3A_740 = tpu.vector_load %arg4[%get3A_737, %get3A_738, %get3A_739] {strides = array<i32>} : memref<1x256x64xf32, #tpu.memory_space<vmem>>, vector<1x1x16xf32>,
        %get3A_741 = vector.shape_cast %get3A_740 : vector<1x1x16xf32> to vector<16xf32>
        %mul3A_742 = arith.mulf %get3A_723, %get3A_723 : vector<16xf32>
        %mul3A_743 = arith.mulf %get3A_729, %get3A_729 : vector<16xf32>
        %add3A_744 = arith.addf %mul3A_742, %mul3A_743 : vector<16xf32>
        %mul3A_745 = arith.mulf %get3A_735, %get3A_735 : vector<16xf32>
        %mul3A_746 = arith.mulf %get3A_741, %get3A_741 : vector<16xf32>
        %add3A_747 = arith.addf %mul3A_745, %mul3A_746 : vector<16xf32>
        %add3A_748 = arith.addf %add3A_744, %add3A_747 : vector<16xf32>
        %gather3A_749 = vector.shape_cast %broadcast_in_dim3A : vector<16x1xi32> to vector<16xi32>
        %gather3A_750 = tpu.dynamic_gather %add3A_748[%gather3A_749] in [0] : vector<16xf32>, vector<16xi32> -> vector<16xf32>
        %add3A_751 = arith.addf %add3A_748, %gather3A_750 : vector<16xf32>
        %gather3A_752 = vector.shape_cast %broadcast_in_dim3A_6 : vector<16x1xi32> to vector<16xi32>
        %gather3A_753 = tpu.dynamic_gather %add3A_751[%gather3A_752] in [0] : vector<16xf32>, vector<16xi32> -> vector<16xf32>
        %add3A_754 = arith.addf %add3A_751, %gather3A_753 : vector<16xf32>
        %gather3A_755 = vector.shape_cast %broadcast_in_dim3A_10 : vector<16x1xi32> to vector<16xi32>
        %gather3A_756 = tpu.dynamic_gather %add3A_754[%gather3A_755] in [0] : vector<16xf32>, vector<16xi32> -> vector<16xf32>
        %add3A_757 = arith.addf %add3A_754, %gather3A_756 : vector<16xf32>
        %gather3A_758 = vector.shape_cast %broadcast_in_dim3A_14 : vector<16x1xi32> to vector<16xi32>
        %gather3A_759 = tpu.dynamic_gather %add3A_757[%gather3A_758] in [0] : vector<16xf32>, vector<16xi32> -> vector<16xf32>
        %add3A_760 = arith.addf %add3A_757, %gather3A_759 : vector<16xf32>
        %gt3A_761 = arith.cmpf ogt, %add3A_760, %scan3A_395 : vector<16xf32>
        %select_n3A_762 = arith.select %gt3A_761, %add3A_760, %scan3A_395 : vector<16xi1>, vector<16xf32>
        %mul3A_763 = arith.constant 256 : i32
        %mul3A_764 = arith.muli %mul3A_175, %mul3A_763 : i32
        %add3A_765 = arith.addi %mul3A_764, %add3A_717 : i32
        %broadcast_in_dim3A_766 = vector.broadcast %add3A_765 : i32 to vector<16xi32>
        %select_n3A_767 = arith.select %gt3A_761, %broadcast_in_dim3A_766, %scan3A_403 : vector<16xi1>, vector<16xi32>
        %add3A_768 = arith.constant 224 : i32
        %add3A_769 = arith.addi %add3A_768, %scan3A_388 : i32
        %get3A_770 = arith.constant 0 : i32
        %get3A_771 = arith.index_cast %get3A_770 : i32 to index
        %get3A_772 = arith.index_cast %add3A_769 : i32 to index
        %get3A_773 = arith.constant 0 : index
        %get3A_774 = tpu.vector_load %arg4[%get3A_771, %get3A_772, %get3A_773] {strides = array<i32>} : memref<1x256x64xf32, #tpu.memory_space<vmem>>, vector<1x1x16xf32>,
        %get3A_775 = vector.shape_cast %get3A_774 : vector<1x1x16xf32> to vector<16xf32>
        %get3A_776 = arith.constant 0 : i32
        %get3A_777 = arith.index_cast %get3A_776 : i32 to index
        %get3A_778 = arith.index_cast %add3A_769 : i32 to index
        %get3A_779 = arith.constant 16 : index
        %get3A_780 = tpu.vector_load %arg4[%get3A_777, %get3A_778, %get3A_779] {strides = array<i32>} : memref<1x256x64xf32, #tpu.memory_space<vmem>>, vector<1x1x16xf32>,
        %get3A_781 = vector.shape_cast %get3A_780 : vector<1x1x16xf32> to vector<16xf32>
        %get3A_782 = arith.constant 0 : i32
        %get3A_783 = arith.index_cast %get3A_782 : i32 to index
        %get3A_784 = arith.index_cast %add3A_769 : i32 to index
        %get3A_785 = arith.constant 32 : index
        %get3A_786 = tpu.vector_load %arg4[%get3A_783, %get3A_784, %get3A_785] {strides = array<i32>} : memref<1x256x64xf32, #tpu.memory_space<vmem>>, vector<1x1x16xf32>,
        %get3A_787 = vector.shape_cast %get3A_786 : vector<1x1x16xf32> to vector<16xf32>
        %get3A_788 = arith.constant 0 : i32
        %get3A_789 = arith.index_cast %get3A_788 : i32 to index
        %get3A_790 = arith.index_cast %add3A_769 : i32 to index
        %get3A_791 = arith.constant 48 : index
        %get3A_792 = tpu.vector_load %arg4[%get3A_789, %get3A_790, %get3A_791] {strides = array<i32>} : memref<1x256x64xf32, #tpu.memory_space<vmem>>, vector<1x1x16xf32>,
        %get3A_793 = vector.shape_cast %get3A_792 : vector<1x1x16xf32> to vector<16xf32>
        %mul3A_794 = arith.mulf %get3A_775, %get3A_775 : vector<16xf32>
        %mul3A_795 = arith.mulf %get3A_781, %get3A_781 : vector<16xf32>
        %add3A_796 = arith.addf %mul3A_794, %mul3A_795 : vector<16xf32>
        %mul3A_797 = arith.mulf %get3A_787, %get3A_787 : vector<16xf32>
        %mul3A_798 = arith.mulf %get3A_793, %get3A_793 : vector<16xf32>
        %add3A_799 = arith.addf %mul3A_797, %mul3A_798 : vector<16xf32>
        %add3A_800 = arith.addf %add3A_796, %add3A_799 : vector<16xf32>
        %gather3A_801 = vector.shape_cast %broadcast_in_dim3A : vector<16x1xi32> to vector<16xi32>
        %gather3A_802 = tpu.dynamic_gather %add3A_800[%gather3A_801] in [0] : vector<16xf32>, vector<16xi32> -> vector<16xf32>
        %add3A_803 = arith.addf %add3A_800, %gather3A_802 : vector<16xf32>
        %gather3A_804 = vector.shape_cast %broadcast_in_dim3A_6 : vector<16x1xi32> to vector<16xi32>
        %gather3A_805 = tpu.dynamic_gather %add3A_803[%gather3A_804] in [0] : vector<16xf32>, vector<16xi32> -> vector<16xf32>
        %add3A_806 = arith.addf %add3A_803, %gather3A_805 : vector<16xf32>
        %gather3A_807 = vector.shape_cast %broadcast_in_dim3A_10 : vector<16x1xi32> to vector<16xi32>
        %gather3A_808 = tpu.dynamic_gather %add3A_806[%gather3A_807] in [0] : vector<16xf32>, vector<16xi32> -> vector<16xf32>
        %add3A_809 = arith.addf %add3A_806, %gather3A_808 : vector<16xf32>
        %gather3A_810 = vector.shape_cast %broadcast_in_dim3A_14 : vector<16x1xi32> to vector<16xi32>
        %gather3A_811 = tpu.dynamic_gather %add3A_809[%gather3A_810] in [0] : vector<16xf32>, vector<16xi32> -> vector<16xf32>
        %add3A_812 = arith.addf %add3A_809, %gather3A_811 : vector<16xf32>
        %gt3A_813 = arith.cmpf ogt, %add3A_812, %scan3A_396 : vector<16xf32>
        %select_n3A_814 = arith.select %gt3A_813, %add3A_812, %scan3A_396 : vector<16xi1>, vector<16xf32>
        %mul3A_815 = arith.constant 256 : i32
        %mul3A_816 = arith.muli %mul3A_175, %mul3A_815 : i32
        %add3A_817 = arith.addi %mul3A_816, %add3A_769 : i32
        %broadcast_in_dim3A_818 = vector.broadcast %add3A_817 : i32 to vector<16xi32>
        %select_n3A_819 = arith.select %gt3A_813, %broadcast_in_dim3A_818, %scan3A_404 : vector<16xi1>, vector<16xi32>
        scf.yield %select_n3A_450, %select_n3A_502, %select_n3A_554, %select_n3A_606, %select_n3A_658, %select_n3A_710, %select_n3A_762, %select_n3A_814, %select_n3A_455, %select_n3A_507, %select_n3A_559, %select_n3A_611, %select_n3A_663, %select_n3A_715, %select_n3A_767, %select_n3A_819 : vector<16xf32>, vector<16xf32>, vector<16xf32>, vector<16xf32>, vector<16xf32>, vector<16xf32>, vector<16xf32>, vector<16xf32>, vector<16xi32>, vector<16xi32>, vector<16xi32>, vector<16xi32>, vector<16xi32>, vector<16xi32>, vector<16xi32>, vector<16xi32>
      }
      %scan3A_310 = arith.constant 32 : i32
      %add3A_311 = arith.constant 1 : i32
      %add3A_312 = arith.addi %mul3A_175, %add3A_311 : i32
      %mul3A_313 = arith.constant 256 : i32
      %mul3A_314 = arith.muli %add3A_312, %mul3A_313 : i32
      %add3A_315 = arith.constant 0 : i32
      %add3A_316 = arith.addi %mul3A_314, %add3A_315 : i32
      %mul3A_317 = arith.constant 256 : i32
      %mul3A_318 = arith.muli %add3A_312, %mul3A_317 : i32
      %add3A_319 = arith.constant 64 : i32
      %add3A_320 = arith.addi %mul3A_318, %add3A_319 : i32
      %mul3A_321 = arith.constant 256 : i32
      %mul3A_322 = arith.muli %add3A_312, %mul3A_321 : i32
      %add3A_323 = arith.constant 128 : i32
      %add3A_324 = arith.addi %mul3A_322, %add3A_323 : i32
      %mul3A_325 = arith.constant 256 : i32
      %mul3A_326 = arith.muli %add3A_312, %mul3A_325 : i32
      %add3A_327 = arith.constant 192 : i32
      %add3A_328 = arith.addi %mul3A_326, %add3A_327 : i32
      %dma_wait3A_329 = arith.constant 0 : i32
      %dma_wait3A_330 = arith.constant 0 : i32
      %dma_wait3A_331 = arith.constant 0 : i32
      %dma_wait3A_332 = tpu.memref_slice %arg5[%dma_wait3A_329, %dma_wait3A_330, %dma_wait3A_331] : memref<1x256x64xf32, #tpu.memory_space<vmem>> -> memref<1x64x64xf32, #tpu.memory_space<vmem>>
      %dma_wait3A_333 = arith.constant 0 : i32
      %dma_wait3A_334 = tpu.memref_slice %arg2[%add3A_16, %add3A_316, %dma_wait3A_333] : memref<64x8192x64xf32, #tpu.memory_space<hbm>> -> memref<1x64x64xf32, #tpu.memory_space<hbm>>
      %dma_wait3A_335 = arith.constant 0 : i32
      %dma_wait3A_336 = arith.constant 0 : i32
      %dma_wait3A_337 = arith.constant 0 : i32
      %dma_wait3A_338 = tpu.memref_slice %arg5[%dma_wait3A_335, %dma_wait3A_336, %dma_wait3A_337] : memref<1x256x64xf32, #tpu.memory_space<vmem>> -> memref<1x64x64xf32, #tpu.memory_space<vmem>>
      %dma_wait3A_339 = arith.constant 0 : i32
      %dma_wait3A_340 = tpu.memref_slice %arg2[%add3A_16, %add3A_316, %dma_wait3A_339] : memref<64x8192x64xf32, #tpu.memory_space<hbm>> -> memref<1x64x64xf32, #tpu.memory_space<hbm>>
      tpu.wait_dma2 semaphore(%arg12 : memref<!tpu.dma_semaphore, #tpu.memory_space<semaphore_mem>>) src(%dma_wait3A_340 : memref<1x64x64xf32, #tpu.memory_space<hbm>>) dst(%dma_wait3A_338 : memref<1x64x64xf32, #tpu.memory_space<vmem>>)
      %dma_wait3A_341 = arith.constant 0 : i32
      %dma_wait3A_342 = arith.constant 64 : i32
      %dma_wait3A_343 = arith.constant 0 : i32
      %dma_wait3A_344 = tpu.memref_slice %arg5[%dma_wait3A_341, %dma_wait3A_342, %dma_wait3A_343] : memref<1x256x64xf32, #tpu.memory_space<vmem>> -> memref<1x64x64xf32, #tpu.memory_space<vmem>>
      %dma_wait3A_345 = arith.constant 0 : i32
      %dma_wait3A_346 = tpu.memref_slice %arg2[%add3A_16, %add3A_320, %dma_wait3A_345] : memref<64x8192x64xf32, #tpu.memory_space<hbm>> -> memref<1x64x64xf32, #tpu.memory_space<hbm>>
      %dma_wait3A_347 = arith.constant 0 : i32
      %dma_wait3A_348 = arith.constant 64 : i32
      %dma_wait3A_349 = arith.constant 0 : i32
      %dma_wait3A_350 = tpu.memref_slice %arg5[%dma_wait3A_347, %dma_wait3A_348, %dma_wait3A_349] : memref<1x256x64xf32, #tpu.memory_space<vmem>> -> memref<1x64x64xf32, #tpu.memory_space<vmem>>
      %dma_wait3A_351 = arith.constant 0 : i32
      %dma_wait3A_352 = tpu.memref_slice %arg2[%add3A_16, %add3A_320, %dma_wait3A_351] : memref<64x8192x64xf32, #tpu.memory_space<hbm>> -> memref<1x64x64xf32, #tpu.memory_space<hbm>>
      tpu.wait_dma2 semaphore(%arg13 : memref<!tpu.dma_semaphore, #tpu.memory_space<semaphore_mem>>) src(%dma_wait3A_352 : memref<1x64x64xf32, #tpu.memory_space<hbm>>) dst(%dma_wait3A_350 : memref<1x64x64xf32, #tpu.memory_space<vmem>>)
      %dma_wait3A_353 = arith.constant 0 : i32
      %dma_wait3A_354 = arith.constant 128 : i32
      %dma_wait3A_355 = arith.constant 0 : i32
      %dma_wait3A_356 = tpu.memref_slice %arg5[%dma_wait3A_353, %dma_wait3A_354, %dma_wait3A_355] : memref<1x256x64xf32, #tpu.memory_space<vmem>> -> memref<1x64x64xf32, #tpu.memory_space<vmem>>
      %dma_wait3A_357 = arith.constant 0 : i32
      %dma_wait3A_358 = tpu.memref_slice %arg2[%add3A_16, %add3A_324, %dma_wait3A_357] : memref<64x8192x64xf32, #tpu.memory_space<hbm>> -> memref<1x64x64xf32, #tpu.memory_space<hbm>>
      %dma_wait3A_359 = arith.constant 0 : i32
      %dma_wait3A_360 = arith.constant 128 : i32
      %dma_wait3A_361 = arith.constant 0 : i32
      %dma_wait3A_362 = tpu.memref_slice %arg5[%dma_wait3A_359, %dma_wait3A_360, %dma_wait3A_361] : memref<1x256x64xf32, #tpu.memory_space<vmem>> -> memref<1x64x64xf32, #tpu.memory_space<vmem>>
      %dma_wait3A_363 = arith.constant 0 : i32
      %dma_wait3A_364 = tpu.memref_slice %arg2[%add3A_16, %add3A_324, %dma_wait3A_363] : memref<64x8192x64xf32, #tpu.memory_space<hbm>> -> memref<1x64x64xf32, #tpu.memory_space<hbm>>
      tpu.wait_dma2 semaphore(%arg14 : memref<!tpu.dma_semaphore, #tpu.memory_space<semaphore_mem>>) src(%dma_wait3A_364 : memref<1x64x64xf32, #tpu.memory_space<hbm>>) dst(%dma_wait3A_362 : memref<1x64x64xf32, #tpu.memory_space<vmem>>)
      %dma_wait3A_365 = arith.constant 0 : i32
      %dma_wait3A_366 = arith.constant 192 : i32
      %dma_wait3A_367 = arith.constant 0 : i32
      %dma_wait3A_368 = tpu.memref_slice %arg5[%dma_wait3A_365, %dma_wait3A_366, %dma_wait3A_367] : memref<1x256x64xf32, #tpu.memory_space<vmem>> -> memref<1x64x64xf32, #tpu.memory_space<vmem>>
      %dma_wait3A_369 = arith.constant 0 : i32
      %dma_wait3A_370 = tpu.memref_slice %arg2[%add3A_16, %add3A_328, %dma_wait3A_369] : memref<64x8192x64xf32, #tpu.memory_space<hbm>> -> memref<1x64x64xf32, #tpu.memory_space<hbm>>
      %dma_wait3A_371 = arith.constant 0 : i32
      %dma_wait3A_372 = arith.constant 192 : i32
      %dma_wait3A_373 = arith.constant 0 : i32
      %dma_wait3A_374 = tpu.memref_slice %arg5[%dma_wait3A_371, %dma_wait3A_372, %dma_wait3A_373] : memref<1x256x64xf32, #tpu.memory_space<vmem>> -> memref<1x64x64xf32, #tpu.memory_space<vmem>>
      %dma_wait3A_375 = arith.constant 0 : i32
      %dma_wait3A_376 = tpu.memref_slice %arg2[%add3A_16, %add3A_328, %dma_wait3A_375] : memref<64x8192x64xf32, #tpu.memory_space<hbm>> -> memref<1x64x64xf32, #tpu.memory_space<hbm>>
      tpu.wait_dma2 semaphore(%arg15 : memref<!tpu.dma_semaphore, #tpu.memory_space<semaphore_mem>>) src(%dma_wait3A_376 : memref<1x64x64xf32, #tpu.memory_space<hbm>>) dst(%dma_wait3A_374 : memref<1x64x64xf32, #tpu.memory_space<vmem>>)
      %lt3A_377 = arith.constant 15 : i32
      %lt3A_378 = arith.cmpi slt, %scan3A_157, %lt3A_377 : i32
      %convert_element_type3A = arith.extui %lt3A_378 : i1 to i32
      %cond3A = arith.constant 0 : i32
      %cond3A_379 = arith.cmpi ne, %convert_element_type3A, %cond3A : i32
      scf.if %cond3A_379 {
        %add3A_388 = arith.constant 2 : i32
        %add3A_389 = arith.addi %mul3A_175, %add3A_388 : i32
        %mul3A_390 = arith.constant 256 : i32
        %mul3A_391 = arith.muli %add3A_389, %mul3A_390 : i32
        %add3A_392 = arith.constant 0 : i32
        %add3A_393 = arith.addi %mul3A_391, %add3A_392 : i32
        %mul3A_394 = arith.constant 256 : i32
        %mul3A_395 = arith.muli %add3A_389, %mul3A_394 : i32
        %add3A_396 = arith.constant 64 : i32
        %add3A_397 = arith.addi %mul3A_395, %add3A_396 : i32
        %mul3A_398 = arith.constant 256 : i32
        %mul3A_399 = arith.muli %add3A_389, %mul3A_398 : i32
        %add3A_400 = arith.constant 128 : i32
        %add3A_401 = arith.addi %mul3A_399, %add3A_400 : i32
        %mul3A_402 = arith.constant 256 : i32
        %mul3A_403 = arith.muli %add3A_389, %mul3A_402 : i32
        %add3A_404 = arith.constant 192 : i32
        %add3A_405 = arith.addi %mul3A_403, %add3A_404 : i32
        %dma_start3A_406 = arith.constant 0 : i32
        %dma_start3A_407 = arith.constant 0 : i32
        %dma_start3A_408 = arith.constant 0 : i32
        %dma_start3A_409 = tpu.memref_slice %arg4[%dma_start3A_406, %dma_start3A_407, %dma_start3A_408] : memref<1x256x64xf32, #tpu.memory_space<vmem>> -> memref<1x64x64xf32, #tpu.memory_space<vmem>>
        %dma_start3A_410 = arith.constant 0 : i32
        %dma_start3A_411 = tpu.memref_slice %arg2[%add3A_16, %add3A_393, %dma_start3A_410] : memref<64x8192x64xf32, #tpu.memory_space<hbm>> -> memref<1x64x64xf32, #tpu.memory_space<hbm>>
        %dma_start3A_412 = arith.constant 0 : i32
        %dma_start3A_413 = arith.constant 0 : i32
        %dma_start3A_414 = arith.constant 0 : i32
        %dma_start3A_415 = tpu.memref_slice %arg4[%dma_start3A_412, %dma_start3A_413, %dma_start3A_414] : memref<1x256x64xf32, #tpu.memory_space<vmem>> -> memref<1x64x64xf32, #tpu.memory_space<vmem>>
        %dma_start3A_416 = arith.constant 0 : i32
        %dma_start3A_417 = tpu.memref_slice %arg2[%add3A_16, %add3A_393, %dma_start3A_416] : memref<64x8192x64xf32, #tpu.memory_space<hbm>> -> memref<1x64x64xf32, #tpu.memory_space<hbm>>
        tpu.enqueue_dma source(%dma_start3A_417 : memref<1x64x64xf32, #tpu.memory_space<hbm>>) target(%dma_start3A_415 : memref<1x64x64xf32, #tpu.memory_space<vmem>>) target_semaphore(%arg8 : memref<!tpu.dma_semaphore, #tpu.memory_space<semaphore_mem>>)
        %dma_start3A_418 = arith.constant 0 : i32
        %dma_start3A_419 = arith.constant 64 : i32
        %dma_start3A_420 = arith.constant 0 : i32
        %dma_start3A_421 = tpu.memref_slice %arg4[%dma_start3A_418, %dma_start3A_419, %dma_start3A_420] : memref<1x256x64xf32, #tpu.memory_space<vmem>> -> memref<1x64x64xf32, #tpu.memory_space<vmem>>
        %dma_start3A_422 = arith.constant 0 : i32
        %dma_start3A_423 = tpu.memref_slice %arg2[%add3A_16, %add3A_397, %dma_start3A_422] : memref<64x8192x64xf32, #tpu.memory_space<hbm>> -> memref<1x64x64xf32, #tpu.memory_space<hbm>>
        %dma_start3A_424 = arith.constant 0 : i32
        %dma_start3A_425 = arith.constant 64 : i32
        %dma_start3A_426 = arith.constant 0 : i32
        %dma_start3A_427 = tpu.memref_slice %arg4[%dma_start3A_424, %dma_start3A_425, %dma_start3A_426] : memref<1x256x64xf32, #tpu.memory_space<vmem>> -> memref<1x64x64xf32, #tpu.memory_space<vmem>>
        %dma_start3A_428 = arith.constant 0 : i32
        %dma_start3A_429 = tpu.memref_slice %arg2[%add3A_16, %add3A_397, %dma_start3A_428] : memref<64x8192x64xf32, #tpu.memory_space<hbm>> -> memref<1x64x64xf32, #tpu.memory_space<hbm>>
        tpu.enqueue_dma source(%dma_start3A_429 : memref<1x64x64xf32, #tpu.memory_space<hbm>>) target(%dma_start3A_427 : memref<1x64x64xf32, #tpu.memory_space<vmem>>) target_semaphore(%arg9 : memref<!tpu.dma_semaphore, #tpu.memory_space<semaphore_mem>>)
        %dma_start3A_430 = arith.constant 0 : i32
        %dma_start3A_431 = arith.constant 128 : i32
        %dma_start3A_432 = arith.constant 0 : i32
        %dma_start3A_433 = tpu.memref_slice %arg4[%dma_start3A_430, %dma_start3A_431, %dma_start3A_432] : memref<1x256x64xf32, #tpu.memory_space<vmem>> -> memref<1x64x64xf32, #tpu.memory_space<vmem>>
        %dma_start3A_434 = arith.constant 0 : i32
        %dma_start3A_435 = tpu.memref_slice %arg2[%add3A_16, %add3A_401, %dma_start3A_434] : memref<64x8192x64xf32, #tpu.memory_space<hbm>> -> memref<1x64x64xf32, #tpu.memory_space<hbm>>
        %dma_start3A_436 = arith.constant 0 : i32
        %dma_start3A_437 = arith.constant 128 : i32
        %dma_start3A_438 = arith.constant 0 : i32
        %dma_start3A_439 = tpu.memref_slice %arg4[%dma_start3A_436, %dma_start3A_437, %dma_start3A_438] : memref<1x256x64xf32, #tpu.memory_space<vmem>> -> memref<1x64x64xf32, #tpu.memory_space<vmem>>
        %dma_start3A_440 = arith.constant 0 : i32
        %dma_start3A_441 = tpu.memref_slice %arg2[%add3A_16, %add3A_401, %dma_start3A_440] : memref<64x8192x64xf32, #tpu.memory_space<hbm>> -> memref<1x64x64xf32, #tpu.memory_space<hbm>>
        tpu.enqueue_dma source(%dma_start3A_441 : memref<1x64x64xf32, #tpu.memory_space<hbm>>) target(%dma_start3A_439 : memref<1x64x64xf32, #tpu.memory_space<vmem>>) target_semaphore(%arg10 : memref<!tpu.dma_semaphore, #tpu.memory_space<semaphore_mem>>)
        %dma_start3A_442 = arith.constant 0 : i32
        %dma_start3A_443 = arith.constant 192 : i32
        %dma_start3A_444 = arith.constant 0 : i32
        %dma_start3A_445 = tpu.memref_slice %arg4[%dma_start3A_442, %dma_start3A_443, %dma_start3A_444] : memref<1x256x64xf32, #tpu.memory_space<vmem>> -> memref<1x64x64xf32, #tpu.memory_space<vmem>>
        %dma_start3A_446 = arith.constant 0 : i32
        %dma_start3A_447 = tpu.memref_slice %arg2[%add3A_16, %add3A_405, %dma_start3A_446] : memref<64x8192x64xf32, #tpu.memory_space<hbm>> -> memref<1x64x64xf32, #tpu.memory_space<hbm>>
        %dma_start3A_448 = arith.constant 0 : i32
        %dma_start3A_449 = arith.constant 192 : i32
        %dma_start3A_450 = arith.constant 0 : i32
        %dma_start3A_451 = tpu.memref_slice %arg4[%dma_start3A_448, %dma_start3A_449, %dma_start3A_450] : memref<1x256x64xf32, #tpu.memory_space<vmem>> -> memref<1x64x64xf32, #tpu.memory_space<vmem>>
        %dma_start3A_452 = arith.constant 0 : i32
        %dma_start3A_453 = tpu.memref_slice %arg2[%add3A_16, %add3A_405, %dma_start3A_452] : memref<64x8192x64xf32, #tpu.memory_space<hbm>> -> memref<1x64x64xf32, #tpu.memory_space<hbm>>
        tpu.enqueue_dma source(%dma_start3A_453 : memref<1x64x64xf32, #tpu.memory_space<hbm>>) target(%dma_start3A_451 : memref<1x64x64xf32, #tpu.memory_space<vmem>>) target_semaphore(%arg11 : memref<!tpu.dma_semaphore, #tpu.memory_space<semaphore_mem>>)
      } else {
      }
      %add3A_380 = arith.constant 1 : i32
      %add3A_381 = arith.addi %mul3A_175, %add3A_380 : i32
      %scan3A_382 = arith.constant 0 : i32
      %scan3A_383 = arith.constant 32 : i32
      %scan3A_384 = arith.addi %scan3A_382, %scan3A_383 : i32
      %scan3A_385 = arith.constant 1 : i32
      %scan3A_386:16 = scf.for %scan3A_388 = %scan3A_382 to %scan3A_384 step %scan3A_385 iter_args(%scan3A_389 = %scan3A_309#0, %scan3A_390 = %scan3A_309#1, %scan3A_391 = %scan3A_309#2, %scan3A_392 = %scan3A_309#3, %scan3A_393 = %scan3A_309#4, %scan3A_394 = %scan3A_309#5, %scan3A_395 = %scan3A_309#6, %scan3A_396 = %scan3A_309#7, %scan3A_397 = %scan3A_309#8, %scan3A_398 = %scan3A_309#9, %scan3A_399 = %scan3A_309#10, %scan3A_400 = %scan3A_309#11, %scan3A_401 = %scan3A_309#12, %scan3A_402 = %scan3A_309#13, %scan3A_403 = %scan3A_309#14, %scan3A_404 = %scan3A_309#15) -> (vector<16xf32>, vector<16xf32>, vector<16xf32>, vector<16xf32>, vector<16xf32>, vector<16xf32>, vector<16xf32>, vector<16xf32>, vector<16xi32>, vector<16xi32>, vector<16xi32>, vector<16xi32>, vector<16xi32>, vector<16xi32>, vector<16xi32>, vector<16xi32>)  : i32 {
        %add3A_405 = arith.constant 0 : i32
        %add3A_406 = arith.addi %add3A_405, %scan3A_388 : i32
        %get3A_407 = arith.constant 0 : i32
        %get3A_408 = arith.index_cast %get3A_407 : i32 to index
        %get3A_409 = arith.index_cast %add3A_406 : i32 to index
        %get3A_410 = arith.constant 0 : index
        %get3A_411 = tpu.vector_load %arg5[%get3A_408, %get3A_409, %get3A_410] {strides = array<i32>} : memref<1x256x64xf32, #tpu.memory_space<vmem>>, vector<1x1x16xf32>,
        %get3A_412 = vector.shape_cast %get3A_411 : vector<1x1x16xf32> to vector<16xf32>
        %get3A_413 = arith.constant 0 : i32
        %get3A_414 = arith.index_cast %get3A_413 : i32 to index
        %get3A_415 = arith.index_cast %add3A_406 : i32 to index
        %get3A_416 = arith.constant 16 : index
        %get3A_417 = tpu.vector_load %arg5[%get3A_414, %get3A_415, %get3A_416] {strides = array<i32>} : memref<1x256x64xf32, #tpu.memory_space<vmem>>, vector<1x1x16xf32>,
        %get3A_418 = vector.shape_cast %get3A_417 : vector<1x1x16xf32> to vector<16xf32>
        %get3A_419 = arith.constant 0 : i32
        %get3A_420 = arith.index_cast %get3A_419 : i32 to index
        %get3A_421 = arith.index_cast %add3A_406 : i32 to index
        %get3A_422 = arith.constant 32 : index
        %get3A_423 = tpu.vector_load %arg5[%get3A_420, %get3A_421, %get3A_422] {strides = array<i32>} : memref<1x256x64xf32, #tpu.memory_space<vmem>>, vector<1x1x16xf32>,
        %get3A_424 = vector.shape_cast %get3A_423 : vector<1x1x16xf32> to vector<16xf32>
        %get3A_425 = arith.constant 0 : i32
        %get3A_426 = arith.index_cast %get3A_425 : i32 to index
        %get3A_427 = arith.index_cast %add3A_406 : i32 to index
        %get3A_428 = arith.constant 48 : index
        %get3A_429 = tpu.vector_load %arg5[%get3A_426, %get3A_427, %get3A_428] {strides = array<i32>} : memref<1x256x64xf32, #tpu.memory_space<vmem>>, vector<1x1x16xf32>,
        %get3A_430 = vector.shape_cast %get3A_429 : vector<1x1x16xf32> to vector<16xf32>
        %mul3A_431 = arith.mulf %get3A_412, %get3A_412 : vector<16xf32>
        %mul3A_432 = arith.mulf %get3A_418, %get3A_418 : vector<16xf32>
        %add3A_433 = arith.addf %mul3A_431, %mul3A_432 : vector<16xf32>
        %mul3A_434 = arith.mulf %get3A_424, %get3A_424 : vector<16xf32>
        %mul3A_435 = arith.mulf %get3A_430, %get3A_430 : vector<16xf32>
        %add3A_436 = arith.addf %mul3A_434, %mul3A_435 : vector<16xf32>
        %add3A_437 = arith.addf %add3A_433, %add3A_436 : vector<16xf32>
        %gather3A = vector.shape_cast %broadcast_in_dim3A : vector<16x1xi32> to vector<16xi32>
        %gather3A_438 = tpu.dynamic_gather %add3A_437[%gather3A] in [0] : vector<16xf32>, vector<16xi32> -> vector<16xf32>
        %add3A_439 = arith.addf %add3A_437, %gather3A_438 : vector<16xf32>
        %gather3A_440 = vector.shape_cast %broadcast_in_dim3A_6 : vector<16x1xi32> to vector<16xi32>
        %gather3A_441 = tpu.dynamic_gather %add3A_439[%gather3A_440] in [0] : vector<16xf32>, vector<16xi32> -> vector<16xf32>
        %add3A_442 = arith.addf %add3A_439, %gather3A_441 : vector<16xf32>
        %gather3A_443 = vector.shape_cast %broadcast_in_dim3A_10 : vector<16x1xi32> to vector<16xi32>
        %gather3A_444 = tpu.dynamic_gather %add3A_442[%gather3A_443] in [0] : vector<16xf32>, vector<16xi32> -> vector<16xf32>
        %add3A_445 = arith.addf %add3A_442, %gather3A_444 : vector<16xf32>
        %gather3A_446 = vector.shape_cast %broadcast_in_dim3A_14 : vector<16x1xi32> to vector<16xi32>
        %gather3A_447 = tpu.dynamic_gather %add3A_445[%gather3A_446] in [0] : vector<16xf32>, vector<16xi32> -> vector<16xf32>
        %add3A_448 = arith.addf %add3A_445, %gather3A_447 : vector<16xf32>
        %gt3A_449 = arith.cmpf ogt, %add3A_448, %scan3A_389 : vector<16xf32>
        %select_n3A_450 = arith.select %gt3A_449, %add3A_448, %scan3A_389 : vector<16xi1>, vector<16xf32>
        %mul3A_451 = arith.constant 256 : i32
        %mul3A_452 = arith.muli %add3A_381, %mul3A_451 : i32
        %add3A_453 = arith.addi %mul3A_452, %add3A_406 : i32
        %broadcast_in_dim3A_454 = vector.broadcast %add3A_453 : i32 to vector<16xi32>
        %select_n3A_455 = arith.select %gt3A_449, %broadcast_in_dim3A_454, %scan3A_397 : vector<16xi1>, vector<16xi32>
        %add3A_456 = arith.constant 32 : i32
        %add3A_457 = arith.addi %add3A_456, %scan3A_388 : i32
        %get3A_458 = arith.constant 0 : i32
        %get3A_459 = arith.index_cast %get3A_458 : i32 to index
        %get3A_460 = arith.index_cast %add3A_457 : i32 to index
        %get3A_461 = arith.constant 0 : index
        %get3A_462 = tpu.vector_load %arg5[%get3A_459, %get3A_460, %get3A_461] {strides = array<i32>} : memref<1x256x64xf32, #tpu.memory_space<vmem>>, vector<1x1x16xf32>,
        %get3A_463 = vector.shape_cast %get3A_462 : vector<1x1x16xf32> to vector<16xf32>
        %get3A_464 = arith.constant 0 : i32
        %get3A_465 = arith.index_cast %get3A_464 : i32 to index
        %get3A_466 = arith.index_cast %add3A_457 : i32 to index
        %get3A_467 = arith.constant 16 : index
        %get3A_468 = tpu.vector_load %arg5[%get3A_465, %get3A_466, %get3A_467] {strides = array<i32>} : memref<1x256x64xf32, #tpu.memory_space<vmem>>, vector<1x1x16xf32>,
        %get3A_469 = vector.shape_cast %get3A_468 : vector<1x1x16xf32> to vector<16xf32>
        %get3A_470 = arith.constant 0 : i32
        %get3A_471 = arith.index_cast %get3A_470 : i32 to index
        %get3A_472 = arith.index_cast %add3A_457 : i32 to index
        %get3A_473 = arith.constant 32 : index
        %get3A_474 = tpu.vector_load %arg5[%get3A_471, %get3A_472, %get3A_473] {strides = array<i32>} : memref<1x256x64xf32, #tpu.memory_space<vmem>>, vector<1x1x16xf32>,
        %get3A_475 = vector.shape_cast %get3A_474 : vector<1x1x16xf32> to vector<16xf32>
        %get3A_476 = arith.constant 0 : i32
        %get3A_477 = arith.index_cast %get3A_476 : i32 to index
        %get3A_478 = arith.index_cast %add3A_457 : i32 to index
        %get3A_479 = arith.constant 48 : index
        %get3A_480 = tpu.vector_load %arg5[%get3A_477, %get3A_478, %get3A_479] {strides = array<i32>} : memref<1x256x64xf32, #tpu.memory_space<vmem>>, vector<1x1x16xf32>,
        %get3A_481 = vector.shape_cast %get3A_480 : vector<1x1x16xf32> to vector<16xf32>
        %mul3A_482 = arith.mulf %get3A_463, %get3A_463 : vector<16xf32>
        %mul3A_483 = arith.mulf %get3A_469, %get3A_469 : vector<16xf32>
        %add3A_484 = arith.addf %mul3A_482, %mul3A_483 : vector<16xf32>
        %mul3A_485 = arith.mulf %get3A_475, %get3A_475 : vector<16xf32>
        %mul3A_486 = arith.mulf %get3A_481, %get3A_481 : vector<16xf32>
        %add3A_487 = arith.addf %mul3A_485, %mul3A_486 : vector<16xf32>
        %add3A_488 = arith.addf %add3A_484, %add3A_487 : vector<16xf32>
        %gather3A_489 = vector.shape_cast %broadcast_in_dim3A : vector<16x1xi32> to vector<16xi32>
        %gather3A_490 = tpu.dynamic_gather %add3A_488[%gather3A_489] in [0] : vector<16xf32>, vector<16xi32> -> vector<16xf32>
        %add3A_491 = arith.addf %add3A_488, %gather3A_490 : vector<16xf32>
        %gather3A_492 = vector.shape_cast %broadcast_in_dim3A_6 : vector<16x1xi32> to vector<16xi32>
        %gather3A_493 = tpu.dynamic_gather %add3A_491[%gather3A_492] in [0] : vector<16xf32>, vector<16xi32> -> vector<16xf32>
        %add3A_494 = arith.addf %add3A_491, %gather3A_493 : vector<16xf32>
        %gather3A_495 = vector.shape_cast %broadcast_in_dim3A_10 : vector<16x1xi32> to vector<16xi32>
        %gather3A_496 = tpu.dynamic_gather %add3A_494[%gather3A_495] in [0] : vector<16xf32>, vector<16xi32> -> vector<16xf32>
        %add3A_497 = arith.addf %add3A_494, %gather3A_496 : vector<16xf32>
        %gather3A_498 = vector.shape_cast %broadcast_in_dim3A_14 : vector<16x1xi32> to vector<16xi32>
        %gather3A_499 = tpu.dynamic_gather %add3A_497[%gather3A_498] in [0] : vector<16xf32>, vector<16xi32> -> vector<16xf32>
        %add3A_500 = arith.addf %add3A_497, %gather3A_499 : vector<16xf32>
        %gt3A_501 = arith.cmpf ogt, %add3A_500, %scan3A_390 : vector<16xf32>
        %select_n3A_502 = arith.select %gt3A_501, %add3A_500, %scan3A_390 : vector<16xi1>, vector<16xf32>
        %mul3A_503 = arith.constant 256 : i32
        %mul3A_504 = arith.muli %add3A_381, %mul3A_503 : i32
        %add3A_505 = arith.addi %mul3A_504, %add3A_457 : i32
        %broadcast_in_dim3A_506 = vector.broadcast %add3A_505 : i32 to vector<16xi32>
        %select_n3A_507 = arith.select %gt3A_501, %broadcast_in_dim3A_506, %scan3A_398 : vector<16xi1>, vector<16xi32>
        %add3A_508 = arith.constant 64 : i32
        %add3A_509 = arith.addi %add3A_508, %scan3A_388 : i32
        %get3A_510 = arith.constant 0 : i32
        %get3A_511 = arith.index_cast %get3A_510 : i32 to index
        %get3A_512 = arith.index_cast %add3A_509 : i32 to index
        %get3A_513 = arith.constant 0 : index
        %get3A_514 = tpu.vector_load %arg5[%get3A_511, %get3A_512, %get3A_513] {strides = array<i32>} : memref<1x256x64xf32, #tpu.memory_space<vmem>>, vector<1x1x16xf32>,
        %get3A_515 = vector.shape_cast %get3A_514 : vector<1x1x16xf32> to vector<16xf32>
        %get3A_516 = arith.constant 0 : i32
        %get3A_517 = arith.index_cast %get3A_516 : i32 to index
        %get3A_518 = arith.index_cast %add3A_509 : i32 to index
        %get3A_519 = arith.constant 16 : index
        %get3A_520 = tpu.vector_load %arg5[%get3A_517, %get3A_518, %get3A_519] {strides = array<i32>} : memref<1x256x64xf32, #tpu.memory_space<vmem>>, vector<1x1x16xf32>,
        %get3A_521 = vector.shape_cast %get3A_520 : vector<1x1x16xf32> to vector<16xf32>
        %get3A_522 = arith.constant 0 : i32
        %get3A_523 = arith.index_cast %get3A_522 : i32 to index
        %get3A_524 = arith.index_cast %add3A_509 : i32 to index
        %get3A_525 = arith.constant 32 : index
        %get3A_526 = tpu.vector_load %arg5[%get3A_523, %get3A_524, %get3A_525] {strides = array<i32>} : memref<1x256x64xf32, #tpu.memory_space<vmem>>, vector<1x1x16xf32>,
        %get3A_527 = vector.shape_cast %get3A_526 : vector<1x1x16xf32> to vector<16xf32>
        %get3A_528 = arith.constant 0 : i32
        %get3A_529 = arith.index_cast %get3A_528 : i32 to index
        %get3A_530 = arith.index_cast %add3A_509 : i32 to index
        %get3A_531 = arith.constant 48 : index
        %get3A_532 = tpu.vector_load %arg5[%get3A_529, %get3A_530, %get3A_531] {strides = array<i32>} : memref<1x256x64xf32, #tpu.memory_space<vmem>>, vector<1x1x16xf32>,
        %get3A_533 = vector.shape_cast %get3A_532 : vector<1x1x16xf32> to vector<16xf32>
        %mul3A_534 = arith.mulf %get3A_515, %get3A_515 : vector<16xf32>
        %mul3A_535 = arith.mulf %get3A_521, %get3A_521 : vector<16xf32>
        %add3A_536 = arith.addf %mul3A_534, %mul3A_535 : vector<16xf32>
        %mul3A_537 = arith.mulf %get3A_527, %get3A_527 : vector<16xf32>
        %mul3A_538 = arith.mulf %get3A_533, %get3A_533 : vector<16xf32>
        %add3A_539 = arith.addf %mul3A_537, %mul3A_538 : vector<16xf32>
        %add3A_540 = arith.addf %add3A_536, %add3A_539 : vector<16xf32>
        %gather3A_541 = vector.shape_cast %broadcast_in_dim3A : vector<16x1xi32> to vector<16xi32>
        %gather3A_542 = tpu.dynamic_gather %add3A_540[%gather3A_541] in [0] : vector<16xf32>, vector<16xi32> -> vector<16xf32>
        %add3A_543 = arith.addf %add3A_540, %gather3A_542 : vector<16xf32>
        %gather3A_544 = vector.shape_cast %broadcast_in_dim3A_6 : vector<16x1xi32> to vector<16xi32>
        %gather3A_545 = tpu.dynamic_gather %add3A_543[%gather3A_544] in [0] : vector<16xf32>, vector<16xi32> -> vector<16xf32>
        %add3A_546 = arith.addf %add3A_543, %gather3A_545 : vector<16xf32>
        %gather3A_547 = vector.shape_cast %broadcast_in_dim3A_10 : vector<16x1xi32> to vector<16xi32>
        %gather3A_548 = tpu.dynamic_gather %add3A_546[%gather3A_547] in [0] : vector<16xf32>, vector<16xi32> -> vector<16xf32>
        %add3A_549 = arith.addf %add3A_546, %gather3A_548 : vector<16xf32>
        %gather3A_550 = vector.shape_cast %broadcast_in_dim3A_14 : vector<16x1xi32> to vector<16xi32>
        %gather3A_551 = tpu.dynamic_gather %add3A_549[%gather3A_550] in [0] : vector<16xf32>, vector<16xi32> -> vector<16xf32>
        %add3A_552 = arith.addf %add3A_549, %gather3A_551 : vector<16xf32>
        %gt3A_553 = arith.cmpf ogt, %add3A_552, %scan3A_391 : vector<16xf32>
        %select_n3A_554 = arith.select %gt3A_553, %add3A_552, %scan3A_391 : vector<16xi1>, vector<16xf32>
        %mul3A_555 = arith.constant 256 : i32
        %mul3A_556 = arith.muli %add3A_381, %mul3A_555 : i32
        %add3A_557 = arith.addi %mul3A_556, %add3A_509 : i32
        %broadcast_in_dim3A_558 = vector.broadcast %add3A_557 : i32 to vector<16xi32>
        %select_n3A_559 = arith.select %gt3A_553, %broadcast_in_dim3A_558, %scan3A_399 : vector<16xi1>, vector<16xi32>
        %add3A_560 = arith.constant 96 : i32
        %add3A_561 = arith.addi %add3A_560, %scan3A_388 : i32
        %get3A_562 = arith.constant 0 : i32
        %get3A_563 = arith.index_cast %get3A_562 : i32 to index
        %get3A_564 = arith.index_cast %add3A_561 : i32 to index
        %get3A_565 = arith.constant 0 : index
        %get3A_566 = tpu.vector_load %arg5[%get3A_563, %get3A_564, %get3A_565] {strides = array<i32>} : memref<1x256x64xf32, #tpu.memory_space<vmem>>, vector<1x1x16xf32>,
        %get3A_567 = vector.shape_cast %get3A_566 : vector<1x1x16xf32> to vector<16xf32>
        %get3A_568 = arith.constant 0 : i32
        %get3A_569 = arith.index_cast %get3A_568 : i32 to index
        %get3A_570 = arith.index_cast %add3A_561 : i32 to index
        %get3A_571 = arith.constant 16 : index
        %get3A_572 = tpu.vector_load %arg5[%get3A_569, %get3A_570, %get3A_571] {strides = array<i32>} : memref<1x256x64xf32, #tpu.memory_space<vmem>>, vector<1x1x16xf32>,
        %get3A_573 = vector.shape_cast %get3A_572 : vector<1x1x16xf32> to vector<16xf32>
        %get3A_574 = arith.constant 0 : i32
        %get3A_575 = arith.index_cast %get3A_574 : i32 to index
        %get3A_576 = arith.index_cast %add3A_561 : i32 to index
        %get3A_577 = arith.constant 32 : index
        %get3A_578 = tpu.vector_load %arg5[%get3A_575, %get3A_576, %get3A_577] {strides = array<i32>} : memref<1x256x64xf32, #tpu.memory_space<vmem>>, vector<1x1x16xf32>,
        %get3A_579 = vector.shape_cast %get3A_578 : vector<1x1x16xf32> to vector<16xf32>
        %get3A_580 = arith.constant 0 : i32
        %get3A_581 = arith.index_cast %get3A_580 : i32 to index
        %get3A_582 = arith.index_cast %add3A_561 : i32 to index
        %get3A_583 = arith.constant 48 : index
        %get3A_584 = tpu.vector_load %arg5[%get3A_581, %get3A_582, %get3A_583] {strides = array<i32>} : memref<1x256x64xf32, #tpu.memory_space<vmem>>, vector<1x1x16xf32>,
        %get3A_585 = vector.shape_cast %get3A_584 : vector<1x1x16xf32> to vector<16xf32>
        %mul3A_586 = arith.mulf %get3A_567, %get3A_567 : vector<16xf32>
        %mul3A_587 = arith.mulf %get3A_573, %get3A_573 : vector<16xf32>
        %add3A_588 = arith.addf %mul3A_586, %mul3A_587 : vector<16xf32>
        %mul3A_589 = arith.mulf %get3A_579, %get3A_579 : vector<16xf32>
        %mul3A_590 = arith.mulf %get3A_585, %get3A_585 : vector<16xf32>
        %add3A_591 = arith.addf %mul3A_589, %mul3A_590 : vector<16xf32>
        %add3A_592 = arith.addf %add3A_588, %add3A_591 : vector<16xf32>
        %gather3A_593 = vector.shape_cast %broadcast_in_dim3A : vector<16x1xi32> to vector<16xi32>
        %gather3A_594 = tpu.dynamic_gather %add3A_592[%gather3A_593] in [0] : vector<16xf32>, vector<16xi32> -> vector<16xf32>
        %add3A_595 = arith.addf %add3A_592, %gather3A_594 : vector<16xf32>
        %gather3A_596 = vector.shape_cast %broadcast_in_dim3A_6 : vector<16x1xi32> to vector<16xi32>
        %gather3A_597 = tpu.dynamic_gather %add3A_595[%gather3A_596] in [0] : vector<16xf32>, vector<16xi32> -> vector<16xf32>
        %add3A_598 = arith.addf %add3A_595, %gather3A_597 : vector<16xf32>
        %gather3A_599 = vector.shape_cast %broadcast_in_dim3A_10 : vector<16x1xi32> to vector<16xi32>
        %gather3A_600 = tpu.dynamic_gather %add3A_598[%gather3A_599] in [0] : vector<16xf32>, vector<16xi32> -> vector<16xf32>
        %add3A_601 = arith.addf %add3A_598, %gather3A_600 : vector<16xf32>
        %gather3A_602 = vector.shape_cast %broadcast_in_dim3A_14 : vector<16x1xi32> to vector<16xi32>
        %gather3A_603 = tpu.dynamic_gather %add3A_601[%gather3A_602] in [0] : vector<16xf32>, vector<16xi32> -> vector<16xf32>
        %add3A_604 = arith.addf %add3A_601, %gather3A_603 : vector<16xf32>
        %gt3A_605 = arith.cmpf ogt, %add3A_604, %scan3A_392 : vector<16xf32>
        %select_n3A_606 = arith.select %gt3A_605, %add3A_604, %scan3A_392 : vector<16xi1>, vector<16xf32>
        %mul3A_607 = arith.constant 256 : i32
        %mul3A_608 = arith.muli %add3A_381, %mul3A_607 : i32
        %add3A_609 = arith.addi %mul3A_608, %add3A_561 : i32
        %broadcast_in_dim3A_610 = vector.broadcast %add3A_609 : i32 to vector<16xi32>
        %select_n3A_611 = arith.select %gt3A_605, %broadcast_in_dim3A_610, %scan3A_400 : vector<16xi1>, vector<16xi32>
        %add3A_612 = arith.constant 128 : i32
        %add3A_613 = arith.addi %add3A_612, %scan3A_388 : i32
        %get3A_614 = arith.constant 0 : i32
        %get3A_615 = arith.index_cast %get3A_614 : i32 to index
        %get3A_616 = arith.index_cast %add3A_613 : i32 to index
        %get3A_617 = arith.constant 0 : index
        %get3A_618 = tpu.vector_load %arg5[%get3A_615, %get3A_616, %get3A_617] {strides = array<i32>} : memref<1x256x64xf32, #tpu.memory_space<vmem>>, vector<1x1x16xf32>,
        %get3A_619 = vector.shape_cast %get3A_618 : vector<1x1x16xf32> to vector<16xf32>
        %get3A_620 = arith.constant 0 : i32
        %get3A_621 = arith.index_cast %get3A_620 : i32 to index
        %get3A_622 = arith.index_cast %add3A_613 : i32 to index
        %get3A_623 = arith.constant 16 : index
        %get3A_624 = tpu.vector_load %arg5[%get3A_621, %get3A_622, %get3A_623] {strides = array<i32>} : memref<1x256x64xf32, #tpu.memory_space<vmem>>, vector<1x1x16xf32>,
        %get3A_625 = vector.shape_cast %get3A_624 : vector<1x1x16xf32> to vector<16xf32>
        %get3A_626 = arith.constant 0 : i32
        %get3A_627 = arith.index_cast %get3A_626 : i32 to index
        %get3A_628 = arith.index_cast %add3A_613 : i32 to index
        %get3A_629 = arith.constant 32 : index
        %get3A_630 = tpu.vector_load %arg5[%get3A_627, %get3A_628, %get3A_629] {strides = array<i32>} : memref<1x256x64xf32, #tpu.memory_space<vmem>>, vector<1x1x16xf32>,
        %get3A_631 = vector.shape_cast %get3A_630 : vector<1x1x16xf32> to vector<16xf32>
        %get3A_632 = arith.constant 0 : i32
        %get3A_633 = arith.index_cast %get3A_632 : i32 to index
        %get3A_634 = arith.index_cast %add3A_613 : i32 to index
        %get3A_635 = arith.constant 48 : index
        %get3A_636 = tpu.vector_load %arg5[%get3A_633, %get3A_634, %get3A_635] {strides = array<i32>} : memref<1x256x64xf32, #tpu.memory_space<vmem>>, vector<1x1x16xf32>,
        %get3A_637 = vector.shape_cast %get3A_636 : vector<1x1x16xf32> to vector<16xf32>
        %mul3A_638 = arith.mulf %get3A_619, %get3A_619 : vector<16xf32>
        %mul3A_639 = arith.mulf %get3A_625, %get3A_625 : vector<16xf32>
        %add3A_640 = arith.addf %mul3A_638, %mul3A_639 : vector<16xf32>
        %mul3A_641 = arith.mulf %get3A_631, %get3A_631 : vector<16xf32>
        %mul3A_642 = arith.mulf %get3A_637, %get3A_637 : vector<16xf32>
        %add3A_643 = arith.addf %mul3A_641, %mul3A_642 : vector<16xf32>
        %add3A_644 = arith.addf %add3A_640, %add3A_643 : vector<16xf32>
        %gather3A_645 = vector.shape_cast %broadcast_in_dim3A : vector<16x1xi32> to vector<16xi32>
        %gather3A_646 = tpu.dynamic_gather %add3A_644[%gather3A_645] in [0] : vector<16xf32>, vector<16xi32> -> vector<16xf32>
        %add3A_647 = arith.addf %add3A_644, %gather3A_646 : vector<16xf32>
        %gather3A_648 = vector.shape_cast %broadcast_in_dim3A_6 : vector<16x1xi32> to vector<16xi32>
        %gather3A_649 = tpu.dynamic_gather %add3A_647[%gather3A_648] in [0] : vector<16xf32>, vector<16xi32> -> vector<16xf32>
        %add3A_650 = arith.addf %add3A_647, %gather3A_649 : vector<16xf32>
        %gather3A_651 = vector.shape_cast %broadcast_in_dim3A_10 : vector<16x1xi32> to vector<16xi32>
        %gather3A_652 = tpu.dynamic_gather %add3A_650[%gather3A_651] in [0] : vector<16xf32>, vector<16xi32> -> vector<16xf32>
        %add3A_653 = arith.addf %add3A_650, %gather3A_652 : vector<16xf32>
        %gather3A_654 = vector.shape_cast %broadcast_in_dim3A_14 : vector<16x1xi32> to vector<16xi32>
        %gather3A_655 = tpu.dynamic_gather %add3A_653[%gather3A_654] in [0] : vector<16xf32>, vector<16xi32> -> vector<16xf32>
        %add3A_656 = arith.addf %add3A_653, %gather3A_655 : vector<16xf32>
        %gt3A_657 = arith.cmpf ogt, %add3A_656, %scan3A_393 : vector<16xf32>
        %select_n3A_658 = arith.select %gt3A_657, %add3A_656, %scan3A_393 : vector<16xi1>, vector<16xf32>
        %mul3A_659 = arith.constant 256 : i32
        %mul3A_660 = arith.muli %add3A_381, %mul3A_659 : i32
        %add3A_661 = arith.addi %mul3A_660, %add3A_613 : i32
        %broadcast_in_dim3A_662 = vector.broadcast %add3A_661 : i32 to vector<16xi32>
        %select_n3A_663 = arith.select %gt3A_657, %broadcast_in_dim3A_662, %scan3A_401 : vector<16xi1>, vector<16xi32>
        %add3A_664 = arith.constant 160 : i32
        %add3A_665 = arith.addi %add3A_664, %scan3A_388 : i32
        %get3A_666 = arith.constant 0 : i32
        %get3A_667 = arith.index_cast %get3A_666 : i32 to index
        %get3A_668 = arith.index_cast %add3A_665 : i32 to index
        %get3A_669 = arith.constant 0 : index
        %get3A_670 = tpu.vector_load %arg5[%get3A_667, %get3A_668, %get3A_669] {strides = array<i32>} : memref<1x256x64xf32, #tpu.memory_space<vmem>>, vector<1x1x16xf32>,
        %get3A_671 = vector.shape_cast %get3A_670 : vector<1x1x16xf32> to vector<16xf32>
        %get3A_672 = arith.constant 0 : i32
        %get3A_673 = arith.index_cast %get3A_672 : i32 to index
        %get3A_674 = arith.index_cast %add3A_665 : i32 to index
        %get3A_675 = arith.constant 16 : index
        %get3A_676 = tpu.vector_load %arg5[%get3A_673, %get3A_674, %get3A_675] {strides = array<i32>} : memref<1x256x64xf32, #tpu.memory_space<vmem>>, vector<1x1x16xf32>,
        %get3A_677 = vector.shape_cast %get3A_676 : vector<1x1x16xf32> to vector<16xf32>
        %get3A_678 = arith.constant 0 : i32
        %get3A_679 = arith.index_cast %get3A_678 : i32 to index
        %get3A_680 = arith.index_cast %add3A_665 : i32 to index
        %get3A_681 = arith.constant 32 : index
        %get3A_682 = tpu.vector_load %arg5[%get3A_679, %get3A_680, %get3A_681] {strides = array<i32>} : memref<1x256x64xf32, #tpu.memory_space<vmem>>, vector<1x1x16xf32>,
        %get3A_683 = vector.shape_cast %get3A_682 : vector<1x1x16xf32> to vector<16xf32>
        %get3A_684 = arith.constant 0 : i32
        %get3A_685 = arith.index_cast %get3A_684 : i32 to index
        %get3A_686 = arith.index_cast %add3A_665 : i32 to index
        %get3A_687 = arith.constant 48 : index
        %get3A_688 = tpu.vector_load %arg5[%get3A_685, %get3A_686, %get3A_687] {strides = array<i32>} : memref<1x256x64xf32, #tpu.memory_space<vmem>>, vector<1x1x16xf32>,
        %get3A_689 = vector.shape_cast %get3A_688 : vector<1x1x16xf32> to vector<16xf32>
        %mul3A_690 = arith.mulf %get3A_671, %get3A_671 : vector<16xf32>
        %mul3A_691 = arith.mulf %get3A_677, %get3A_677 : vector<16xf32>
        %add3A_692 = arith.addf %mul3A_690, %mul3A_691 : vector<16xf32>
        %mul3A_693 = arith.mulf %get3A_683, %get3A_683 : vector<16xf32>
        %mul3A_694 = arith.mulf %get3A_689, %get3A_689 : vector<16xf32>
        %add3A_695 = arith.addf %mul3A_693, %mul3A_694 : vector<16xf32>
        %add3A_696 = arith.addf %add3A_692, %add3A_695 : vector<16xf32>
        %gather3A_697 = vector.shape_cast %broadcast_in_dim3A : vector<16x1xi32> to vector<16xi32>
        %gather3A_698 = tpu.dynamic_gather %add3A_696[%gather3A_697] in [0] : vector<16xf32>, vector<16xi32> -> vector<16xf32>
        %add3A_699 = arith.addf %add3A_696, %gather3A_698 : vector<16xf32>
        %gather3A_700 = vector.shape_cast %broadcast_in_dim3A_6 : vector<16x1xi32> to vector<16xi32>
        %gather3A_701 = tpu.dynamic_gather %add3A_699[%gather3A_700] in [0] : vector<16xf32>, vector<16xi32> -> vector<16xf32>
        %add3A_702 = arith.addf %add3A_699, %gather3A_701 : vector<16xf32>
        %gather3A_703 = vector.shape_cast %broadcast_in_dim3A_10 : vector<16x1xi32> to vector<16xi32>
        %gather3A_704 = tpu.dynamic_gather %add3A_702[%gather3A_703] in [0] : vector<16xf32>, vector<16xi32> -> vector<16xf32>
        %add3A_705 = arith.addf %add3A_702, %gather3A_704 : vector<16xf32>
        %gather3A_706 = vector.shape_cast %broadcast_in_dim3A_14 : vector<16x1xi32> to vector<16xi32>
        %gather3A_707 = tpu.dynamic_gather %add3A_705[%gather3A_706] in [0] : vector<16xf32>, vector<16xi32> -> vector<16xf32>
        %add3A_708 = arith.addf %add3A_705, %gather3A_707 : vector<16xf32>
        %gt3A_709 = arith.cmpf ogt, %add3A_708, %scan3A_394 : vector<16xf32>
        %select_n3A_710 = arith.select %gt3A_709, %add3A_708, %scan3A_394 : vector<16xi1>, vector<16xf32>
        %mul3A_711 = arith.constant 256 : i32
        %mul3A_712 = arith.muli %add3A_381, %mul3A_711 : i32
        %add3A_713 = arith.addi %mul3A_712, %add3A_665 : i32
        %broadcast_in_dim3A_714 = vector.broadcast %add3A_713 : i32 to vector<16xi32>
        %select_n3A_715 = arith.select %gt3A_709, %broadcast_in_dim3A_714, %scan3A_402 : vector<16xi1>, vector<16xi32>
        %add3A_716 = arith.constant 192 : i32
        %add3A_717 = arith.addi %add3A_716, %scan3A_388 : i32
        %get3A_718 = arith.constant 0 : i32
        %get3A_719 = arith.index_cast %get3A_718 : i32 to index
        %get3A_720 = arith.index_cast %add3A_717 : i32 to index
        %get3A_721 = arith.constant 0 : index
        %get3A_722 = tpu.vector_load %arg5[%get3A_719, %get3A_720, %get3A_721] {strides = array<i32>} : memref<1x256x64xf32, #tpu.memory_space<vmem>>, vector<1x1x16xf32>,
        %get3A_723 = vector.shape_cast %get3A_722 : vector<1x1x16xf32> to vector<16xf32>
        %get3A_724 = arith.constant 0 : i32
        %get3A_725 = arith.index_cast %get3A_724 : i32 to index
        %get3A_726 = arith.index_cast %add3A_717 : i32 to index
        %get3A_727 = arith.constant 16 : index
        %get3A_728 = tpu.vector_load %arg5[%get3A_725, %get3A_726, %get3A_727] {strides = array<i32>} : memref<1x256x64xf32, #tpu.memory_space<vmem>>, vector<1x1x16xf32>,
        %get3A_729 = vector.shape_cast %get3A_728 : vector<1x1x16xf32> to vector<16xf32>
        %get3A_730 = arith.constant 0 : i32
        %get3A_731 = arith.index_cast %get3A_730 : i32 to index
        %get3A_732 = arith.index_cast %add3A_717 : i32 to index
        %get3A_733 = arith.constant 32 : index
        %get3A_734 = tpu.vector_load %arg5[%get3A_731, %get3A_732, %get3A_733] {strides = array<i32>} : memref<1x256x64xf32, #tpu.memory_space<vmem>>, vector<1x1x16xf32>,
        %get3A_735 = vector.shape_cast %get3A_734 : vector<1x1x16xf32> to vector<16xf32>
        %get3A_736 = arith.constant 0 : i32
        %get3A_737 = arith.index_cast %get3A_736 : i32 to index
        %get3A_738 = arith.index_cast %add3A_717 : i32 to index
        %get3A_739 = arith.constant 48 : index
        %get3A_740 = tpu.vector_load %arg5[%get3A_737, %get3A_738, %get3A_739] {strides = array<i32>} : memref<1x256x64xf32, #tpu.memory_space<vmem>>, vector<1x1x16xf32>,
        %get3A_741 = vector.shape_cast %get3A_740 : vector<1x1x16xf32> to vector<16xf32>
        %mul3A_742 = arith.mulf %get3A_723, %get3A_723 : vector<16xf32>
        %mul3A_743 = arith.mulf %get3A_729, %get3A_729 : vector<16xf32>
        %add3A_744 = arith.addf %mul3A_742, %mul3A_743 : vector<16xf32>
        %mul3A_745 = arith.mulf %get3A_735, %get3A_735 : vector<16xf32>
        %mul3A_746 = arith.mulf %get3A_741, %get3A_741 : vector<16xf32>
        %add3A_747 = arith.addf %mul3A_745, %mul3A_746 : vector<16xf32>
        %add3A_748 = arith.addf %add3A_744, %add3A_747 : vector<16xf32>
        %gather3A_749 = vector.shape_cast %broadcast_in_dim3A : vector<16x1xi32> to vector<16xi32>
        %gather3A_750 = tpu.dynamic_gather %add3A_748[%gather3A_749] in [0] : vector<16xf32>, vector<16xi32> -> vector<16xf32>
        %add3A_751 = arith.addf %add3A_748, %gather3A_750 : vector<16xf32>
        %gather3A_752 = vector.shape_cast %broadcast_in_dim3A_6 : vector<16x1xi32> to vector<16xi32>
        %gather3A_753 = tpu.dynamic_gather %add3A_751[%gather3A_752] in [0] : vector<16xf32>, vector<16xi32> -> vector<16xf32>
        %add3A_754 = arith.addf %add3A_751, %gather3A_753 : vector<16xf32>
        %gather3A_755 = vector.shape_cast %broadcast_in_dim3A_10 : vector<16x1xi32> to vector<16xi32>
        %gather3A_756 = tpu.dynamic_gather %add3A_754[%gather3A_755] in [0] : vector<16xf32>, vector<16xi32> -> vector<16xf32>
        %add3A_757 = arith.addf %add3A_754, %gather3A_756 : vector<16xf32>
        %gather3A_758 = vector.shape_cast %broadcast_in_dim3A_14 : vector<16x1xi32> to vector<16xi32>
        %gather3A_759 = tpu.dynamic_gather %add3A_757[%gather3A_758] in [0] : vector<16xf32>, vector<16xi32> -> vector<16xf32>
        %add3A_760 = arith.addf %add3A_757, %gather3A_759 : vector<16xf32>
        %gt3A_761 = arith.cmpf ogt, %add3A_760, %scan3A_395 : vector<16xf32>
        %select_n3A_762 = arith.select %gt3A_761, %add3A_760, %scan3A_395 : vector<16xi1>, vector<16xf32>
        %mul3A_763 = arith.constant 256 : i32
        %mul3A_764 = arith.muli %add3A_381, %mul3A_763 : i32
        %add3A_765 = arith.addi %mul3A_764, %add3A_717 : i32
        %broadcast_in_dim3A_766 = vector.broadcast %add3A_765 : i32 to vector<16xi32>
        %select_n3A_767 = arith.select %gt3A_761, %broadcast_in_dim3A_766, %scan3A_403 : vector<16xi1>, vector<16xi32>
        %add3A_768 = arith.constant 224 : i32
        %add3A_769 = arith.addi %add3A_768, %scan3A_388 : i32
        %get3A_770 = arith.constant 0 : i32
        %get3A_771 = arith.index_cast %get3A_770 : i32 to index
        %get3A_772 = arith.index_cast %add3A_769 : i32 to index
        %get3A_773 = arith.constant 0 : index
        %get3A_774 = tpu.vector_load %arg5[%get3A_771, %get3A_772, %get3A_773] {strides = array<i32>} : memref<1x256x64xf32, #tpu.memory_space<vmem>>, vector<1x1x16xf32>,
        %get3A_775 = vector.shape_cast %get3A_774 : vector<1x1x16xf32> to vector<16xf32>
        %get3A_776 = arith.constant 0 : i32
        %get3A_777 = arith.index_cast %get3A_776 : i32 to index
        %get3A_778 = arith.index_cast %add3A_769 : i32 to index
        %get3A_779 = arith.constant 16 : index
        %get3A_780 = tpu.vector_load %arg5[%get3A_777, %get3A_778, %get3A_779] {strides = array<i32>} : memref<1x256x64xf32, #tpu.memory_space<vmem>>, vector<1x1x16xf32>,
        %get3A_781 = vector.shape_cast %get3A_780 : vector<1x1x16xf32> to vector<16xf32>
        %get3A_782 = arith.constant 0 : i32
        %get3A_783 = arith.index_cast %get3A_782 : i32 to index
        %get3A_784 = arith.index_cast %add3A_769 : i32 to index
        %get3A_785 = arith.constant 32 : index
        %get3A_786 = tpu.vector_load %arg5[%get3A_783, %get3A_784, %get3A_785] {strides = array<i32>} : memref<1x256x64xf32, #tpu.memory_space<vmem>>, vector<1x1x16xf32>,
        %get3A_787 = vector.shape_cast %get3A_786 : vector<1x1x16xf32> to vector<16xf32>
        %get3A_788 = arith.constant 0 : i32
        %get3A_789 = arith.index_cast %get3A_788 : i32 to index
        %get3A_790 = arith.index_cast %add3A_769 : i32 to index
        %get3A_791 = arith.constant 48 : index
        %get3A_792 = tpu.vector_load %arg5[%get3A_789, %get3A_790, %get3A_791] {strides = array<i32>} : memref<1x256x64xf32, #tpu.memory_space<vmem>>, vector<1x1x16xf32>,
        %get3A_793 = vector.shape_cast %get3A_792 : vector<1x1x16xf32> to vector<16xf32>
        %mul3A_794 = arith.mulf %get3A_775, %get3A_775 : vector<16xf32>
        %mul3A_795 = arith.mulf %get3A_781, %get3A_781 : vector<16xf32>
        %add3A_796 = arith.addf %mul3A_794, %mul3A_795 : vector<16xf32>
        %mul3A_797 = arith.mulf %get3A_787, %get3A_787 : vector<16xf32>
        %mul3A_798 = arith.mulf %get3A_793, %get3A_793 : vector<16xf32>
        %add3A_799 = arith.addf %mul3A_797, %mul3A_798 : vector<16xf32>
        %add3A_800 = arith.addf %add3A_796, %add3A_799 : vector<16xf32>
        %gather3A_801 = vector.shape_cast %broadcast_in_dim3A : vector<16x1xi32> to vector<16xi32>
        %gather3A_802 = tpu.dynamic_gather %add3A_800[%gather3A_801] in [0] : vector<16xf32>, vector<16xi32> -> vector<16xf32>
        %add3A_803 = arith.addf %add3A_800, %gather3A_802 : vector<16xf32>
        %gather3A_804 = vector.shape_cast %broadcast_in_dim3A_6 : vector<16x1xi32> to vector<16xi32>
        %gather3A_805 = tpu.dynamic_gather %add3A_803[%gather3A_804] in [0] : vector<16xf32>, vector<16xi32> -> vector<16xf32>
        %add3A_806 = arith.addf %add3A_803, %gather3A_805 : vector<16xf32>
        %gather3A_807 = vector.shape_cast %broadcast_in_dim3A_10 : vector<16x1xi32> to vector<16xi32>
        %gather3A_808 = tpu.dynamic_gather %add3A_806[%gather3A_807] in [0] : vector<16xf32>, vector<16xi32> -> vector<16xf32>
        %add3A_809 = arith.addf %add3A_806, %gather3A_808 : vector<16xf32>
        %gather3A_810 = vector.shape_cast %broadcast_in_dim3A_14 : vector<16x1xi32> to vector<16xi32>
        %gather3A_811 = tpu.dynamic_gather %add3A_809[%gather3A_810] in [0] : vector<16xf32>, vector<16xi32> -> vector<16xf32>
        %add3A_812 = arith.addf %add3A_809, %gather3A_811 : vector<16xf32>
        %gt3A_813 = arith.cmpf ogt, %add3A_812, %scan3A_396 : vector<16xf32>
        %select_n3A_814 = arith.select %gt3A_813, %add3A_812, %scan3A_396 : vector<16xi1>, vector<16xf32>
        %mul3A_815 = arith.constant 256 : i32
        %mul3A_816 = arith.muli %add3A_381, %mul3A_815 : i32
        %add3A_817 = arith.addi %mul3A_816, %add3A_769 : i32
        %broadcast_in_dim3A_818 = vector.broadcast %add3A_817 : i32 to vector<16xi32>
        %select_n3A_819 = arith.select %gt3A_813, %broadcast_in_dim3A_818, %scan3A_404 : vector<16xi1>, vector<16xi32>
        scf.yield %select_n3A_450, %select_n3A_502, %select_n3A_554, %select_n3A_606, %select_n3A_658, %select_n3A_710, %select_n3A_762, %select_n3A_814, %select_n3A_455, %select_n3A_507, %select_n3A_559, %select_n3A_611, %select_n3A_663, %select_n3A_715, %select_n3A_767, %select_n3A_819 : vector<16xf32>, vector<16xf32>, vector<16xf32>, vector<16xf32>, vector<16xf32>, vector<16xf32>, vector<16xf32>, vector<16xf32>, vector<16xi32>, vector<16xi32>, vector<16xi32>, vector<16xi32>, vector<16xi32>, vector<16xi32>, vector<16xi32>, vector<16xi32>
      }
      %scan3A_387 = arith.constant 32 : i32
      scf.yield %scan3A_386#0, %scan3A_386#1, %scan3A_386#2, %scan3A_386#3, %scan3A_386#4, %scan3A_386#5, %scan3A_386#6, %scan3A_386#7, %scan3A_386#8, %scan3A_386#9, %scan3A_386#10, %scan3A_386#11, %scan3A_386#12, %scan3A_386#13, %scan3A_386#14, %scan3A_386#15 : vector<16xf32>, vector<16xf32>, vector<16xf32>, vector<16xf32>, vector<16xf32>, vector<16xf32>, vector<16xf32>, vector<16xf32>, vector<16xi32>, vector<16xi32>, vector<16xi32>, vector<16xi32>, vector<16xi32>, vector<16xi32>, vector<16xi32>, vector<16xi32>
    }
    %scan3A_108 = arith.constant 16 : i32
    %gt3A = arith.cmpf ogt, %scan3A_107#1, %scan3A_107#0 : vector<16xf32>
    %eq3A = arith.cmpf oeq, %scan3A_107#1, %scan3A_107#0 : vector<16xf32>
    %lt3A = arith.cmpi slt, %scan3A_107#9, %scan3A_107#8 : vector<16xi32>
    %and3A = arith.andi %eq3A, %lt3A : vector<16xi1>
    %or3A = arith.ori %gt3A, %and3A : vector<16xi1>
    %select_n3A = arith.select %or3A, %scan3A_107#1, %scan3A_107#0 : vector<16xi1>, vector<16xf32>
    %select_n3A_109 = arith.select %or3A, %scan3A_107#9, %scan3A_107#8 : vector<16xi1>, vector<16xi32>
    %gt3A_110 = arith.cmpf ogt, %scan3A_107#2, %select_n3A : vector<16xf32>
    %eq3A_111 = arith.cmpf oeq, %scan3A_107#2, %select_n3A : vector<16xf32>
    %lt3A_112 = arith.cmpi slt, %scan3A_107#10, %select_n3A_109 : vector<16xi32>
    %and3A_113 = arith.andi %eq3A_111, %lt3A_112 : vector<16xi1>
    %or3A_114 = arith.ori %gt3A_110, %and3A_113 : vector<16xi1>
    %select_n3A_115 = arith.select %or3A_114, %scan3A_107#2, %select_n3A : vector<16xi1>, vector<16xf32>
    %select_n3A_116 = arith.select %or3A_114, %scan3A_107#10, %select_n3A_109 : vector<16xi1>, vector<16xi32>
    %gt3A_117 = arith.cmpf ogt, %scan3A_107#3, %select_n3A_115 : vector<16xf32>
    %eq3A_118 = arith.cmpf oeq, %scan3A_107#3, %select_n3A_115 : vector<16xf32>
    %lt3A_119 = arith.cmpi slt, %scan3A_107#11, %select_n3A_116 : vector<16xi32>
    %and3A_120 = arith.andi %eq3A_118, %lt3A_119 : vector<16xi1>
    %or3A_121 = arith.ori %gt3A_117, %and3A_120 : vector<16xi1>
    %select_n3A_122 = arith.select %or3A_121, %scan3A_107#3, %select_n3A_115 : vector<16xi1>, vector<16xf32>
    %select_n3A_123 = arith.select %or3A_121, %scan3A_107#11, %select_n3A_116 : vector<16xi1>, vector<16xi32>
    %gt3A_124 = arith.cmpf ogt, %scan3A_107#4, %select_n3A_122 : vector<16xf32>
    %eq3A_125 = arith.cmpf oeq, %scan3A_107#4, %select_n3A_122 : vector<16xf32>
    %lt3A_126 = arith.cmpi slt, %scan3A_107#12, %select_n3A_123 : vector<16xi32>
    %and3A_127 = arith.andi %eq3A_125, %lt3A_126 : vector<16xi1>
    %or3A_128 = arith.ori %gt3A_124, %and3A_127 : vector<16xi1>
    %select_n3A_129 = arith.select %or3A_128, %scan3A_107#4, %select_n3A_122 : vector<16xi1>, vector<16xf32>
    %select_n3A_130 = arith.select %or3A_128, %scan3A_107#12, %select_n3A_123 : vector<16xi1>, vector<16xi32>
    %gt3A_131 = arith.cmpf ogt, %scan3A_107#5, %select_n3A_129 : vector<16xf32>
    %eq3A_132 = arith.cmpf oeq, %scan3A_107#5, %select_n3A_129 : vector<16xf32>
    %lt3A_133 = arith.cmpi slt, %scan3A_107#13, %select_n3A_130 : vector<16xi32>
    %and3A_134 = arith.andi %eq3A_132, %lt3A_133 : vector<16xi1>
    %or3A_135 = arith.ori %gt3A_131, %and3A_134 : vector<16xi1>
    %select_n3A_136 = arith.select %or3A_135, %scan3A_107#5, %select_n3A_129 : vector<16xi1>, vector<16xf32>
    %select_n3A_137 = arith.select %or3A_135, %scan3A_107#13, %select_n3A_130 : vector<16xi1>, vector<16xi32>
    %gt3A_138 = arith.cmpf ogt, %scan3A_107#6, %select_n3A_136 : vector<16xf32>
    %eq3A_139 = arith.cmpf oeq, %scan3A_107#6, %select_n3A_136 : vector<16xf32>
    %lt3A_140 = arith.cmpi slt, %scan3A_107#14, %select_n3A_137 : vector<16xi32>
    %and3A_141 = arith.andi %eq3A_139, %lt3A_140 : vector<16xi1>
    %or3A_142 = arith.ori %gt3A_138, %and3A_141 : vector<16xi1>
    %select_n3A_143 = arith.select %or3A_142, %scan3A_107#6, %select_n3A_136 : vector<16xi1>, vector<16xf32>
    %select_n3A_144 = arith.select %or3A_142, %scan3A_107#14, %select_n3A_137 : vector<16xi1>, vector<16xi32>
    %gt3A_145 = arith.cmpf ogt, %scan3A_107#7, %select_n3A_143 : vector<16xf32>
    %eq3A_146 = arith.cmpf oeq, %scan3A_107#7, %select_n3A_143 : vector<16xf32>
    %lt3A_147 = arith.cmpi slt, %scan3A_107#15, %select_n3A_144 : vector<16xi32>
    %and3A_148 = arith.andi %eq3A_146, %lt3A_147 : vector<16xi1>
    %or3A_149 = arith.ori %gt3A_145, %and3A_148 : vector<16xi1>
    %select_n3A_150 = arith.select %or3A_149, %scan3A_107#7, %select_n3A_143 : vector<16xi1>, vector<16xf32>
    %select_n3A_151 = arith.select %or3A_149, %scan3A_107#15, %select_n3A_144 : vector<16xi1>, vector<16xi32>
    %swap3A = arith.constant 0 : index
    %swap3A_152 = tpu.vector_load %arg7[%swap3A] {strides = array<i32>} : memref<16xi32, #tpu.memory_space<vmem>>, vector<16xi32>,
    %swap3A_153 = vector.shape_cast %swap3A_152 : vector<16xi32> to vector<16xi32>
    %swap3A_154 = vector.shape_cast %select_n3A_151 : vector<16xi32> to vector<16xi32>
    tpu.vector_store %arg7[%swap3A], %swap3A_154 {strides = array<i32>} : memref<16xi32, #tpu.memory_space<vmem>>, vector<16xi32>,
    %get3A = arith.constant 0 : index
    %get3A_155 = tpu.vector_load %arg7[%get3A] {strides = array<i32>} : memref<16xi32, #tpu.memory_space<vmem>>, vector<16xi32>,
    %get3A_156 = vector.shape_cast %get3A_155 : vector<16xi32> to vector<16xi32>
    %slice3A = vector.extract_strided_slice %get3A_156 {offsets = [0], sizes = [1], strides = [1]} : vector<16xi32> to vector<1xi32>
    %squeeze3A = vector.extract %slice3A[0] : i32 from vector<1xi32>
    "tpu.region"() ({
      %run_scoped3A = tpu.sem_alloc : memref<!tpu.dma_semaphore, #tpu.memory_space<semaphore_mem>>
      %dma_start3A_157 = arith.constant 0 : i32
      %dma_start3A_158 = tpu.memref_slice %arg2[%add3A_16, %squeeze3A, %dma_start3A_157] : memref<64x8192x64xf32, #tpu.memory_space<hbm>> -> memref<1x1x64xf32, #tpu.memory_space<hbm>>
      %dma_start3A_159 = arith.constant 0 : i32
      %dma_start3A_160 = tpu.memref_slice %arg2[%add3A_16, %squeeze3A, %dma_start3A_159] : memref<64x8192x64xf32, #tpu.memory_space<hbm>> -> memref<1x1x64xf32, #tpu.memory_space<hbm>>
      tpu.enqueue_dma source(%dma_start3A_160 : memref<1x1x64xf32, #tpu.memory_space<hbm>>) target(%arg6 : memref<1x1x64xf32, #tpu.memory_space<vmem>>) target_semaphore(%run_scoped3A : memref<!tpu.dma_semaphore, #tpu.memory_space<semaphore_mem>>)
      %dma_wait3A = arith.constant 0 : i32
      %dma_wait3A_161 = tpu.memref_slice %arg2[%add3A_16, %squeeze3A, %dma_wait3A] : memref<64x8192x64xf32, #tpu.memory_space<hbm>> -> memref<1x1x64xf32, #tpu.memory_space<hbm>>
      %dma_wait3A_162 = arith.constant 0 : i32
      %dma_wait3A_163 = tpu.memref_slice %arg2[%add3A_16, %squeeze3A, %dma_wait3A_162] : memref<64x8192x64xf32, #tpu.memory_space<hbm>> -> memref<1x1x64xf32, #tpu.memory_space<hbm>>
      tpu.wait_dma2 semaphore(%run_scoped3A : memref<!tpu.dma_semaphore, #tpu.memory_space<semaphore_mem>>) src(%dma_wait3A_163 : memref<1x1x64xf32, #tpu.memory_space<hbm>>) dst(%arg6 : memref<1x1x64xf32, #tpu.memory_space<vmem>>)
      tpu.yield
    }) : () -> ()
    "tpu.region"() ({
      %run_scoped3A = tpu.sem_alloc : memref<!tpu.dma_semaphore, #tpu.memory_space<semaphore_mem>>
      %dma_start3A_157 = arith.constant 0 : i32
      %dma_start3A_158 = arith.constant 0 : i32
      %dma_start3A_159 = tpu.memref_slice %arg3[%add3A, %dma_start3A_157, %dma_start3A_158] : memref<32x1x64xf32, #tpu.memory_space<hbm>> -> memref<1x1x64xf32, #tpu.memory_space<hbm>>
      %dma_start3A_160 = arith.constant 0 : i32
      %dma_start3A_161 = arith.constant 0 : i32
      %dma_start3A_162 = tpu.memref_slice %arg3[%add3A, %dma_start3A_160, %dma_start3A_161] : memref<32x1x64xf32, #tpu.memory_space<hbm>> -> memref<1x1x64xf32, #tpu.memory_space<hbm>>
      tpu.enqueue_dma source(%arg6 : memref<1x1x64xf32, #tpu.memory_space<vmem>>) target(%dma_start3A_162 : memref<1x1x64xf32, #tpu.memory_space<hbm>>) target_semaphore(%run_scoped3A : memref<!tpu.dma_semaphore, #tpu.memory_space<semaphore_mem>>)
      %dma_wait3A = arith.constant 0 : i32
      %dma_wait3A_163 = arith.constant 0 : i32
      %dma_wait3A_164 = tpu.memref_slice %arg3[%add3A, %dma_wait3A, %dma_wait3A_163] : memref<32x1x64xf32, #tpu.memory_space<hbm>> -> memref<1x1x64xf32, #tpu.memory_space<hbm>>
      %dma_wait3A_165 = arith.constant 0 : i32
      %dma_wait3A_166 = arith.constant 0 : i32
      %dma_wait3A_167 = tpu.memref_slice %arg3[%add3A, %dma_wait3A_165, %dma_wait3A_166] : memref<32x1x64xf32, #tpu.memory_space<hbm>> -> memref<1x1x64xf32, #tpu.memory_space<hbm>>
      tpu.wait_dma2 semaphore(%run_scoped3A : memref<!tpu.dma_semaphore, #tpu.memory_space<semaphore_mem>>) src(%arg6 : memref<1x1x64xf32, #tpu.memory_space<vmem>>) dst(%dma_wait3A_167 : memref<1x1x64xf32, #tpu.memory_space<hbm>>)
      tpu.yield
    }) : () -> ()
    return
  }
}

module attributes {stable_mosaic.version = 14 : i64} {
  func.func @_tc_body(%arg0: i32, %arg1: memref<1x8192x64xf32, #tpu.memory_space<vmem>>, %arg2: memref<1x1x64xf32, #tpu.memory_space<vmem>>) attributes {dimension_semantics = [#tpu.dimension_semantics<arbitrary>], iteration_bounds = array<i64: 32>, scalar_prefetch = 0 : i64, scratch_operands = 0 : i64, tpu.core_type = #tpu.core_type<tc>, window_params = [{transform_indices = @transform_0, window_bounds = array<i64: 1, 8192, 64>}, {transform_indices = @transform_1, window_bounds = array<i64: 1, 1, 64>}]} {
    %get3A = arith.constant 0 : index
    %get3A_0 = arith.constant 0 : index
    %get3A_1 = arith.constant 0 : index
    %get3A_2 = vector.load %arg1[%get3A, %get3A_0, %get3A_1] : memref<1x8192x64xf32, #tpu.memory_space<vmem>>, vector<1x8192x64xf32>
    %get3A_3 = vector.shape_cast %get3A_2 : vector<1x8192x64xf32> to vector<8192x64xf32>
    %mul3A = arith.mulf %get3A_3, %get3A_3 : vector<8192x64xf32>
    %reduce_sum3A = arith.constant dense<0.000000e+00> : vector<8192xf32>
    %reduce_sum3A_4 = vector.multi_reduction <add>, %mul3A, %reduce_sum3A [1] : vector<8192x64xf32> to vector<8192xf32>
    %broadcast_in_dim3A = vector.shape_cast %reduce_sum3A_4 : vector<8192xf32> to vector<8192x1xf32>
    %sqrt3A = math.sqrt %broadcast_in_dim3A : vector<8192x1xf32>
    %reduce_max3A = vector.shape_cast %sqrt3A : vector<8192x1xf32> to vector<1x8192x1xf32>
    %reduce_max3A_5 = arith.constant dense<0xFF800000> : vector<1xf32>
    %reduce_max3A_6 = vector.multi_reduction <maximumf>, %reduce_max3A, %reduce_max3A_5 [1, 2] : vector<1x8192x1xf32> to vector<1xf32>
    %reduce_max3A_7 = vector.shape_cast %reduce_max3A_6 : vector<1xf32> to vector<1x1x1xf32>
    %reduce_max3A_8 = vector.extract %reduce_max3A_7[0, 0, 0] : f32 from vector<1x1x1xf32>
    %iota3A = tpu.iota {dimensions = array<i32: 0>} : vector<8192x1xi32>
    %eq3A = vector.broadcast %reduce_max3A_8 : f32 to vector<8192x1xf32>
    %eq3A_9 = arith.cmpf oeq, %sqrt3A, %eq3A : vector<8192x1xf32>
    %jit3A = arith.constant 8192 : i32
    %broadcast_in_dim3A_10 = vector.broadcast %jit3A : i32 to vector<8192x1xi32>
    %select_n3A = arith.select %eq3A_9, %iota3A, %broadcast_in_dim3A_10 : vector<8192x1xi1>, vector<8192x1xi32>
    %reduce_min3A = vector.shape_cast %select_n3A : vector<8192x1xi32> to vector<1x8192x1xi32>
    %reduce_min3A_11 = arith.constant dense<2147483647> : vector<1xi32>
    %reduce_min3A_12 = vector.multi_reduction <minsi>, %reduce_min3A, %reduce_min3A_11 [1, 2] : vector<1x8192x1xi32> to vector<1xi32>
    %reduce_min3A_13 = vector.shape_cast %reduce_min3A_12 : vector<1xi32> to vector<1x1x1xi32>
    %reduce_min3A_14 = vector.extract %reduce_min3A_13[0, 0, 0] : i32 from vector<1x1x1xi32>
    %get3A_15 = arith.constant 0 : index
    %get3A_16 = arith.index_cast %reduce_min3A_14 : i32 to index
    %get3A_17 = arith.constant 0 : index
    %get3A_18 = vector.load %arg1[%get3A_15, %get3A_16, %get3A_17] : memref<1x8192x64xf32, #tpu.memory_space<vmem>>, vector<1x1x64xf32>
    %get3A_19 = vector.shape_cast %get3A_18 : vector<1x1x64xf32> to vector<1x64xf32>
    %swap3A = arith.constant 0 : index
    %swap3A_20 = arith.constant 0 : index
    %swap3A_21 = arith.constant 0 : index
    %swap3A_22 = vector.load %arg2[%swap3A, %swap3A_20, %swap3A_21] : memref<1x1x64xf32, #tpu.memory_space<vmem>>, vector<1x1x64xf32>
    %swap3A_23 = vector.shape_cast %swap3A_22 : vector<1x1x64xf32> to vector<1x64xf32>
    %swap3A_24 = vector.shape_cast %get3A_19 : vector<1x64xf32> to vector<1x1x64xf32>
    tpu.vector_store %arg2[%swap3A, %swap3A_20, %swap3A_21], %swap3A_24 {strides = array<i32>} : memref<1x1x64xf32, #tpu.memory_space<vmem>>, vector<1x1x64xf32>,
    return
  }
  func.func @transform_0(%arg0: i32) -> (i32, i32, i32) {
    %c0_i32 = arith.constant 0 : i32
    %c0_i32_0 = arith.constant 0 : i32
    %c0_i32_1 = arith.constant 0 : i32
    return %arg0, %c0_i32, %c0_i32_0 : i32, i32, i32
  }
  func.func @transform_1(%arg0: i32) -> (i32, i32, i32) {
    %c0_i32 = arith.constant 0 : i32
    %c0_i32_0 = arith.constant 0 : i32
    %c0_i32_1 = arith.constant 0 : i32
    return %arg0, %c0_i32, %c0_i32_0 : i32, i32, i32
  }
}

</mosaic_0001>

<sc_bundles>
// kernel: kernel.4.cloned.1.call-start
scs
__scs_entry_jumppad:
0x0: {  	(pc) =	sbr.rel $0x88, $3  }
0x1: {  	(tag) =	ssettag $0x0;
	lr =	simm.s32 $0x1  }
0x2: {  	[smem:$0x3FA0] =	sst lr;
	_ =	strace $0xD0000000  }
0x3: {  	_ = 	snop  }
0x4: {  	_ = 	snop  }
0x5: {  	_ = 	snop  }
0x6: {  	_ = 	snop  }
0x7: {  	_ = 	snop  }
__scs_overlays_trampoline_lowered:
0x8: {  	[smem:$0x3FAF] =	sst s0  }
0x9: {  	[smem:$0x3FB0] =	sst s1  }
0xa: {  	[smem:$0x3FB1] =	sst s2  }
0xb: {  	[smem:$0x3FB2] =	sst s3  }
0xc: {  	[smem:$0x3FB3] =	sst s4  }
0xd: {  	[smem:$0x3FB4] =	sst s5  }
0xe: {  	[smem:$0x3FB5] =	sst s6  }
0xf: {  	[smem:$0x3FB6] =	sst s7  }
0x10: {  	[smem:$0x3FB7] =	sst s8  }
0x11: {  	[smem:$0x3FB8] =	sst s9;
	s0 =	simm.s32 @!p0 $0x0  }
0x12: {  	s1 =	sld [smem:$0x3F9E];
	s0 =	simm.s32 @p0 $0x1  }
0x13: {  	[smem:$0x3FB9] =	sst s0;
	s0 =	simm.s32 @!p1 $0x0  }
0x14: {  	s2 =	sld [smem:$0x3F9D];
	s0 =	simm.s32 @p1 $0x1  }
0x15: {  	[smem:$0x3FBA] =	sst s0;
	s0 =	simm.s32 @!p2 $0x0  }
0x16: {  	s3 =	sld [smem:$0x3FDB];
	s0 =	simm.s32 @p2 $0x1  }
0x17: {  	s4 =	simm.s32 $0x1BF5;
	[smem:$0x3FBC] =	sst s0  }
0x18: {  	s0 =	sld [smem:$0x3F9F];
	_ =	swait.ge [sflag:s4], $0x0  }
0x19: {  	s7 =	sld [smem:$0x3FA0]  }
0x1a: {  	s8 =	sadd.s32 $0xFFFFE003, lr  }
0x1b: {  	s9 =	sadd.s32 $0xFFFFFEF7, lr;
	s5 =	simm.s32 $0xFFFFFFFF;
	p2 =	slt.u32 s8, $0xFFFFF086  }
0x1c: {  	p1 =	slt.u32 s9, $0xF7A;
	s5 =	simm.s32 @!p2 $0x0  }
0x1d: {  	s5 =	simm.s32 @p1 $0x1;
	p0 =	seq.s32 s7, s2  }
0x1e: {  	s7 =	smul.u32 @!p0 $0xF7A, s2;
	p2 =	seq.s32 @!p0 s5, $0x0  }
0x1f: {  	s9 =	smul.u32 $0xF7A, s1;
	s8 =	simm.s32 @!p0 $0x1BF5;
	p2 =	por !p2, p0  }
0x20: {  	[sflag:s8] =	ssyncset.s32 @!p0 $0xFFFFF086;
	s6 =	sadd.s32 @!p0 s3, s7;
	s7 =	simm.s32 @!p0 $0x108  }
0x21: {  	s3 =	sadd.s32 s3, s9;
	s6 =	sadd.s32 @!p0 $0x88, s6;
	s7 =	simm.s32 @p2 $0x1082  }
0x22: {  	[simem:s7], [sflag:s8] =	dma.local @!p0 [hbm:s6], $0xF7A  }
0x23: {  	s9 =	sor.u32 $0xD0000000, s2;
	s6 =	simm.s32 $0x108;
	_ =	swait.ge @!p0 [sflag:s8], $0x0  }
0x24: {  	s3 =	sadd.s32 $0x88, s3;
	s6 =	simm.s32 @!p1 $0x1082;
	[sflag:s4] =	ssyncset.s32 $0xFFFFF086  }
0x25: {  	[simem:s6], [sflag:s4] =	dma.local [hbm:s3], $0xF7A  }
0x26: {  	[smem:$0x3FA0] =	sst s1;
	(tag) =	ssettag s2;
	_ =	strace s9  }
0x27: {  	s1 =	sld [smem:$0x3FB0]  }
0x28: {  	s2 =	sld [smem:$0x3FB1]  }
0x29: {  	s4 =	sld [smem:$0x3FB3]  }
0x2a: {  	p0 =	seq.s32 s5, $0x0;
	s5 =	sld [smem:$0x3FB4]  }
0x2b: {  	s6 =	sld [smem:$0x3FB5]  }
0x2c: {  	s7 =	sld [smem:$0x3FB6]  }
0x2d: {  	s3 =	simm.s32 $0x108;
	s8 =	sld [smem:$0x3FB7]  }
0x2e: {  	s3 =	simm.s32 @!p0 $0x1082;
	s9 =	sld [smem:$0x3FB8]  }
0x2f: {  	lr =	sadd.s32 s0, s3;
	s0 =	sld [smem:$0x3FAF]  }
0x30: {  	s3 =	sld [smem:$0x3FB2]  }
0x31: {  	[smem:$0x3FBB] =	sst s10  }
0x32: {  	s10 =	sld [smem:$0x3FB9];
	_ =	sdelay $0x3  }
0x33: {  	p0 =	seq.s32 s10, $0x1;
	s10 =	sld [smem:$0x3FBB];
	_ =	sdelay $0x3  }
0x34: {  	[smem:$0x3FBB] =	sst s10  }
0x35: {  	s10 =	sld [smem:$0x3FBA];
	_ =	sdelay $0x3  }
0x36: {  	p1 =	seq.s32 s10, $0x1;
	s10 =	sld [smem:$0x3FBB];
	_ =	sdelay $0x3  }
0x37: {  	[smem:$0x3FBB] =	sst s10  }
0x38: {  	s10 =	sld [smem:$0x3FBC]  }
0x39: {  	_ = 	snop;
	(pc) =	sbr.ind lr, $3  }
0x3a: {  	_ = 	snop  }
0x3b: {  	_ = 	snop  }
0x3c: {  	p2 =	seq.s32 s10, $0x1;
	s10 =	sld [smem:$0x3FBB]  }
0x3d: {  	_ =	shalt  }
0x3e: {  	_ =	shalt  }
0x3f: {  	_ =	shalt  }
0x40: {  	_ =	shalt  }
0x41: {  	_ =	shalt  }
0x42: {  	_ =	shalt  }
0x43: {  	_ =	shalt  }
0x44: {  	_ =	shalt  }
0x45: {  	_ =	shalt  }
0x46: {  	_ =	shalt  }
0x47: {  	_ =	shalt  }
0x48: {  	_ =	shalt  }
0x49: {  	_ =	shalt  }
0x4a: {  	_ =	shalt  }
0x4b: {  	_ =	shalt  }
0x4c: {  	_ =	shalt  }
0x4d: {  	_ =	shalt  }
0x4e: {  	_ =	shalt  }
0x4f: {  	_ =	shalt  }
0x50: {  	_ =	shalt  }
0x51: {  	_ =	shalt  }
0x52: {  	_ =	shalt  }
0x53: {  	_ =	shalt  }
0x54: {  	_ =	shalt  }
0x55: {  	_ =	shalt  }
0x56: {  	_ =	shalt  }
0x57: {  	_ =	shalt  }
0x58: {  	_ =	shalt  }
0x59: {  	_ =	shalt  }
0x5a: {  	_ =	shalt  }
0x5b: {  	_ =	shalt  }
0x5c: {  	_ =	shalt  }
0x5d: {  	_ =	shalt  }
0x5e: {  	_ =	shalt  }
0x5f: {  	_ =	shalt  }
0x60: {  	_ =	shalt  }
0x61: {  	_ =	shalt  }
0x62: {  	_ =	shalt  }
0x63: {  	_ =	shalt  }
0x64: {  	_ =	shalt  }
0x65: {  	_ =	shalt  }
0x66: {  	_ =	shalt  }
0x67: {  	_ =	shalt  }
0x68: {  	_ =	shalt  }
0x69: {  	_ =	shalt  }
0x6a: {  	_ =	shalt  }
0x6b: {  	_ =	shalt  }
0x6c: {  	_ =	shalt  }
0x6d: {  	_ =	shalt  }
0x6e: {  	_ =	shalt  }
0x6f: {  	_ =	shalt  }
0x70: {  	_ =	shalt  }
0x71: {  	_ =	shalt  }
0x72: {  	_ =	shalt  }
0x73: {  	_ =	shalt  }
0x74: {  	_ =	shalt  }
0x75: {  	_ =	shalt  }
0x76: {  	_ =	shalt  }
0x77: {  	_ =	shalt  }
0x78: {  	_ =	shalt  }
0x79: {  	_ =	shalt  }
0x7a: {  	_ =	shalt  }
0x7b: {  	_ =	shalt  }
0x7c: {  	_ =	shalt  }
0x7d: {  	_ =	shalt  }
0x7e: {  	_ =	shalt  }
0x7f: {  	_ =	shalt  }
0x80: {  	_ =	shalt  }
0x81: {  	_ =	shalt  }
0x82: {  	_ =	shalt  }
0x83: {  	_ =	shalt  }
0x84: {  	_ =	shalt  }
0x85: {  	_ =	shalt  }
0x86: {  	_ =	shalt  }
0x87: {  	_ =	shalt  }
.Lfunc_end0:
.L_simem_size_0:
called_computation_lowered:
.L_overlay_start_0:
0x88: {  	s2 =	sld [smem:$0x3FD9]  }
0x89: {  	s3 =	sld [smem:$0x3FFE];
	_ =	sdelay $0x1  }
0x8a: {  	s1 =	srdreg.scid  }
0x8b: {  	s0 =	sand.u32 $0x1, s1  }
0x8c: {  	s16 =	sshll.u32 s0, $0xA;
	s2 =	sadd.s32 s3, s2  }
0x8d: {  	s2 =	sadd.s32 s2, s16  }
0x8e: {  	[smem:$0x3FC7] =	sst s2  }
0x8f: {  	_ = 	snop  }
0x90: {  	(tm) =	ssettm $0x1  }
0x91: {  	s17 =	sld [smem:$0x3FFB];
	_ =	sdelay $0x3  }
0x92: {  	_ =	strace s17  }
0x93: {  	s2 =	sld [smem:$0x3FFC];
	_ =	sdelay $0x3  }
0x94: {  	_ =	strace s2  }
0x95: {  	s2 =	sld [smem:$0x3FFD];
	_ =	sdelay $0x3  }
0x96: {  	_ =	strace s2  }
0x97: {  	_ =	strace $0x8FFFFFFF  }
0x98: {  	s18 =	sld [smem:$0x3FDB];
	_ =	sdelay $0x1  }
0x99: {  	s19 =	simm.s32 $_scs_section_size  }
0x9a: {  	s4 =	simm.s32 $_size__tile_overlayer_lowered;
	s5 =	simm.s32 $_tile_overlayer_lowered  }
0x9b: {  	s22 =	simm.s32 $0x1BFF;
	s21 =	sshll.u32 s5, $0x1;
	s2 =	sadd.s32 s19, s18  }
0x9c: {  	s6 =	simm.s32 $0x0;
	s20 =	sshll.u32 s4, $0x1;
	s4 =	sadd.s32 s21, s2  }
0x9d: {  	[timem:s6], [sflag:s22] =	dma.local [hbm:s4], s20  }
0x9e: {  	_ =	swait.ge [sflag:s22], s20  }
0x9f: {  	s3 =	ssub.s32 $0x0, s20;
	[sflag:s22] =	ssyncset.done $0x0  }
0xa0: {  	[sflag:s22] =	ssyncadd.s32 s3;
	_ =	sdelay $0x1  }
0xa1: {  	s23 =	simm.s32 $0x1B8B  }
0xa2: {  	_ =	swait.ge [sflag:s23], $0x1  }
0xa3: {  	[sflag:s23] =	ssyncset.done $0x0  }
0xa4: {  	s25 =	simm.s32 $0x1B8E;
	s24 =	sld [smem:$0x3FFE];
	[sflag:s23] =	ssyncadd.s32 $0xFFFFFFFF  }
0xa5: {  	s26 =	simm.s32 $execute0_lowered;
	[smem:$0x3FD2] =	sst s25  }
0xa6: {  	s4 =	sshll.u32 s26, $0x1;
	_ =	strace $0x80000046;
	[dreg:$0x1] =	wrdreg $0xFFFFFFFF  }
0xa7: {  	s28 =	simm.s32 $_size_execute0_lowered;
	s2 =	sadd.s32 s2, s4;
	[dreg:$0x0] =	wrdreg $0x0  }
0xa8: {  	s4 =	sshll.u32 s28, $0x1;
	[dreg:$0x2] =	wrdreg s2  }
0xa9: {  	[dreg:$0x3] =	wrdreg s4  }
0xaa: {  	[dreg:$0x4] =	wrdreg $0xC0  }
0xab: {  	_ =	task [dreg:s6], $0x5FFFF  }
0xac: {  	[dreg:$0x1] =	wrdreg $0xFFFFFFFF  }
0xad: {  	[dreg:$0x0] =	wrdreg $0x60  }
0xae: {  	[dreg:$0x2] =	wrdreg s24  }
0xaf: {  	[dreg:$0x3] =	wrdreg $0x9  }
0xb0: {  	_ =	task.clear_ibuf [dreg:s6], $0x4FFFF;
	_ =	strace $0x90000046  }
0xb1: {  	s29 =	simm.s32 $0x9;
	_ =	strace $0x80000048  }
0xb2: {  	_ =	swait.ge [sflag:s29], $0x1  }
0xb3: {  	[sflag:s29] =	ssyncadd.s32 $0xFFFFFFFF  }
0xb4: {  	_ =	strace $0x90000048  }
0xb5: {  	_ =	sfence  }
0xb6: {  	s30 =	sld [smem:$0x0];
	_ =	sdelay $0x2  }
0xb7: {  	s31 =	sshll.u32 s1, $0xD;
	s1 =	sshrl.u32 s1, $0x2  }
0xb8: {  	s3 =	sand.u32 $0x4000, s31;
	s1 =	sadd.s32 s1, s30  }
0xb9: {  	s0 =	sor.u32 s3, s0;
	s1 =	sshll.u32 s1, $0x11  }
0xba: {  	s0 =	sor.u32 s1, s0  }
0xbb: {  	s0 =	sadd.s32 $0x8F2B, s0  }
0xbc: {  	[sflag:s0] =	ssyncadd.remote.s32 $0x1  }
0xbd: {  	_ =	sfence.sel $0xFFFF  }
0xbe: {  	[dreg:$0x0] =	wrdreg $0xFFFFFFFF;
	(pc) =	sbr.abs _section_cstart, $3  }
0xbf: {  	[dreg:$0x1] =	wrdreg $0xFFFFFFFF  }
0xc0: {  	_ =	task.clear_ibuf [dreg:s6], $0x2FFFF;
	_ =	strace $0x9FFFFFFF  }
0xc1: {  	(tm) =	ssettm $0x7FFFFFFF  }
tec
execute0_lowered:
.L_overlay_start_1:
0x0: {  	(tag) =	ssettag $0x1  }
0x1: {  	s0 =	srdreg.scid;
	s2 =	stileid.u32  }
0x2: {  	s1 =	rddreg [dreg:$0x0];
	s8 =	simm.s32 $0x0;
	s19 =	simm.s32 $0x1  }
0x3: {  	s20 =	simm.s32 $0x2;
	s21 =	simm.s32 $0x3;
	s22 =	simm.s32 $0x4  }
0x4: {  	s28 =	simm.s32 $0x5;
	s29 =	simm.s32 $0x6;
	s30 =	simm.s32 $0x7  }
0x5: {  	v0 =	vimm.s32 $0xFEDCBA98;
	v1 =	vimm.s32 $0x76543210;
	s31 =	simm.s32 $0x8;
	s16 =	simm.s32 $0x0;
	s0 =	sand.u32 $0x1, s0  }
0x6: {  	v2 =	vimm.s32 $0xBA98FEDC;
	v3 =	vimm.s32 $0x32107654;
	s2 =	sshll.u32 s2, $0x1;
	[smem:$0x7FF] =	sst s8;
	s3 =	sadd.s32 $0x400, s1  }
0x7: {  	v4 =	vimm.s32 $0xDCFE98BA;
	v5 =	vimm.s32 $0x54761032;
	s2 =	sor.u32 s0, s2;
	_ =	strace $0x80000047;
	s0 =	ssub.s32 $0x2, s0  }
0x8: {  	v6 =	vimm.s32 $0xEFCDAB89;
	v7 =	vimm.s32 $0x67452301;
	s5 =	sshll.u32 s2, $0x11;
	s4 =	sshll.u32 s2, $0x14;
	s2 =	sshll.u32 s2, $0x4  }
0x9: {  	v0 =	vunpack.c.l.s4.s8 v0;
	v1 =	vunpack.c.l.s4.s8 v1;
	v2 =	vunpack.c.l.s4.s8 v2;
	s24 =	sshrl.u32 s0, $0x1;
	s6 =	sadd.s32 s5, s3;
	s5 =	sor.u32 $0x2000000, s4  }
0xa: {  	v3 =	vunpack.c.l.s4.s8 v3;
	v4 =	vunpack.c.l.s4.s8 v4;
	v5 =	vunpack.c.l.s4.s8 v5;
	s9 =	sor.u32 $0x2010000, s4;
	s10 =	sor.u32 $0x2012000, s4;
	s11 =	sor.u32 $0x2014000, s4  }
0xb: {  	v6 =	vunpack.c.l.s4.s8 v6;
	v7 =	vunpack.c.l.s4.s8 v7;
	v0 =	vunpack.c.0.s8.s32 v0;
	s1 =	sadd.s32 s2, s1;
	s0 =	ssub.s32 s0, s24;
	s7 =	sadd.s32 $0x400400, s6  }
0xc: {  	v2 =	vunpack.c.0.s8.s32 v2;
	v3 =	vunpack.c.0.s8.s32 v3;
	v4 =	vunpack.c.0.s8.s32 v4;
	s13 =	sor.u32 $0x2016000, s4;
	s23 =	sadd.s32 $0x400800, s6;
	[dreg:$0x2] =	wrdreg s7  }
0xd: {  	v5 =	vunpack.c.0.s8.s32 v5;
	v6 =	vunpack.c.0.s8.s32 v6;
	v7 =	vunpack.c.0.s8.s32 v7;
	s24 =	simm.s32 $0xA000;
	s6 =	sadd.s32 $0x400C00, s6;
	[dreg:$0x3] =	wrdreg s23  }
0xe: {  	v1 =	vunpack.c.0.s8.s32 v1;
	s25 =	sshrl.u32 s5, $0x3;
	s1 =	sadd.s32 $0x800400, s1;
	v2 =	vcombine.low v3, v2;
	[dreg:$0x4] =	wrdreg s6  }
0xf: {  	s0 =	smax.u32 s0, $0x1;
	v3 =	vcombine.low v5, v4;
	v4 =	vcombine.low v7, v6;
	v0 =	vand.u32 $0xF, v0;
	s26 =	sadd.s32 s3, s25;
	[dreg:$0x6] =	wrdreg s1  }
0x10: {  	[dreg:$0x7] =	wrdreg s0;
	s23 =	simm.s32 $0x8000;
	s25 =	simm.s32 $0xC000;
	v0 =	vcombine.low v0, v1  }
0x11: {  	s0 =	simm.s32 $0x9;
	[dreg:$0x5] =	wrdreg s26;
	s26 =	simm.s32 $0xE000;
	v1 =	vand.u32 $0xF, v2;
	v2 =	vand.u32 $0xF, v3;
	v3 =	vand.u32 $0xF, v4  }
.LBB2_1:
0x12: {  	s1 =	rddreg [dreg:$0x5]  }
0x13: {  	[tilespmem:s8], [sflag:$0x1] =	stream.linear.gather [hbm4b:s1+s8], $0x2000, $0x38;
	[tilespmem:$0x10100] =	vst v63  }
0x14: {  	s12 =	rddreg [dreg:$0x2];
	s2 =	simm.s32 $0x2000  }
0x15: {  	v9 =	vimm.f32 $-1.000000000e+00;
	[tilespmem:s2], [sflag:$0x2] =	stream.linear.gather [hbm4b:s12+s8], $0x2000, $0x38;
	[tilespmem:$0x10100] =	vst v63  }
0x16: {  	s14 =	rddreg [dreg:$0x3];
	s15 =	simm.s32 $0x4000;
	v16 =	vimm.s32 $0x0;
	v4 =	vimm.s32 $0x0;
	v6 =	vimm.s32 $0x0  }
0x17: {  	v13 =	vimm.s32 $0x0;
	v8 =	vimm.s32 $0x0;
	v12 =	vimm.s32 $0x0;
	[tilespmem:s15], [sflag:$0x3] =	stream.linear.gather [hbm4b:s14+s8], $0x2000, $0x38;
	[tilespmem:$0x10100] =	vst v63  }
0x18: {  	s17 =	rddreg [dreg:$0x4];
	s18 =	simm.s32 $0x6000;
	v10 =	vimm.s32 $0x0;
	v17 =	vimm.s32 $0x0;
	v5 =	vimm.f32 $-1.000000000e+00  }
0x19: {  	v11 =	vimm.f32 $-1.000000000e+00;
	v14 =	vimm.f32 $-1.000000000e+00;
	v7 =	vimm.f32 $-1.000000000e+00;
	[tilespmem:s18], [sflag:$0x4] =	stream.linear.gather [hbm4b:s17+s8], $0x2000, $0x38;
	[tilespmem:$0x10100] =	vst v63  }
0x1a: {  	v19 =	vimm.f32 $-1.000000000e+00;
	v15 =	vimm.f32 $-1.000000000e+00;
	v18 =	vimm.f32 $-1.000000000e+00;
	s6 =	simm.s32 $0x0;
	s12 =	simm.s32 $0x0;
	s17 =	simm.s32 $0x100  }
.LBB2_2:
0x1b: {  	_ =	swait.ge [sflag:s19], $0x2000  }
0x1c: {  	[sflag:s19] =	ssyncset.done $0x0  }
0x1d: {  	[sflag:s19] =	ssyncadd.s32 $0xFFFFE000  }
0x1e: {  	_ =	swait.ge [sflag:s20], $0x2000  }
0x1f: {  	[sflag:s20] =	ssyncset.done $0x0  }
0x20: {  	[sflag:s20] =	ssyncadd.s32 $0xFFFFE000  }
0x21: {  	_ =	swait.ge [sflag:s21], $0x2000  }
0x22: {  	s7 =	sshll.u32 s6, $0x10;
	[sflag:s21] =	ssyncset.done $0x0  }
0x23: {  	s1 =	sadd.s32 s7, s5;
	[sflag:s21] =	ssyncadd.s32 $0xFFFFE000  }
0x24: {  	s1 =	sadd.s32 $0x8000, s1;
	_ =	swait.ge [sflag:s22], $0x2000  }
0x25: {  	s2 =	simm.s32 $0x0;
	s1 =	sshrl.u32 s1, $0x3;
	[sflag:s22] =	ssyncset.done $0x0  }
0x26: {  	s14 =	sor.u32 s7, s4;
	s1 =	sadd.s32 s3, s1;
	[sflag:s22] =	ssyncadd.s32 $0xFFFFE000  }
0x27: {  	[tilespmem:s23], [sflag:$0x5] =	stream.linear.gather [hbm4b:s1+s2], $0x2000, $0x38;
	[tilespmem:$0x10100] =	vst v63  }
0x28: {  	s1 =	sshrl.u32 s14, $0x3  }
0x29: {  	s8 =	sor.u32 $0x401400, s1  }
0x2a: {  	s15 =	sor.u32 $0x401800, s1;
	s8 =	sadd.s32 s3, s8  }
0x2b: {  	[tilespmem:s24], [sflag:$0x6] =	stream.linear.gather [hbm4b:s8+s2], $0x2000, $0x38;
	[tilespmem:$0x10100] =	vst v63  }
0x2c: {  	s1 =	sor.u32 $0x401C00, s1;
	s8 =	sadd.s32 s3, s15  }
0x2d: {  	[tilespmem:s25], [sflag:$0x7] =	stream.linear.gather [hbm4b:s8+s2], $0x2000, $0x38;
	[tilespmem:$0x10100] =	vst v63  }
0x2e: {  	s18 =	simm.s32 $0x0;
	s1 =	sadd.s32 s3, s1  }
0x2f: {  	[tilespmem:s26], [sflag:$0x8] =	stream.linear.gather [hbm4b:s1+s2], $0x2000, $0x38;
	[tilespmem:$0x10100] =	vst v63  }
0x30: {  	v20 =	vld [tilespmem:s18+$0x7030]  }
0x31: {  	v21 =	vld [tilespmem:s18+$0x7020]  }
0x32: {  	v22 =	vld [tilespmem:s18+$0x5020]  }
0x33: {  	v23 =	vld [tilespmem:s18+$0x6030]  }
0x34: {  	v24 =	vld [tilespmem:s18+$0x6010]  }
0x35: {  	v25 =	vld [tilespmem:s18+$0x4010]  }
0x36: {  	v26 =	vld [tilespmem:s18+$0x7000]  }
0x37: {  	v27 =	vld [tilespmem:s18+$0x7010]  }
0x38: {  	v28 =	vld [tilespmem:s18+$0x5030]  }
0x39: {  	v29 =	vld [tilespmem:s18+$0x20]  }
0x3a: {  	v30 =	vld [tilespmem:s18+$0x6020]  }
0x3b: {  	v31 =	vld [tilespmem:s18+$0x1020]  }
0x3c: {  	v32 =	vld [tilespmem:s18+$0x4020]  }
0x3d: {  	v33 =	vld [tilespmem:s18+$0x5010]  }
0x3e: {  	v34 =	vld [tilespmem:s18+$0x10]  }
0x3f: {  	v35 =	vld [tilespmem:s18+$0x2000];
	v20 =	vmul.f32 v20, v20  }
0x40: {  	v36 =	vld [tilespmem:s18+$0x3020];
	v21 =	vmul.f32 v21, v21;
	v26 =	vmul.f32 v26, v26  }
0x41: {  	v38 =	vld [tilespmem:s18+$0x1030];
	v27 =	vmul.f32 v27, v27;
	v22 =	vmul.f32 v22, v22  }
0x42: {  	v42 =	vld [tilespmem:s18+$0x4000];
	v23 =	vmul.f32 v23, v23;
	v39 =	vmul.f32 v24, v24  }
0x43: {  	v43 =	vld [tilespmem:s18+$0x2030];
	v24 =	vmul.f32 v25, v25;
	v28 =	vmul.f32 v28, v28  }
0x44: {  	v41 =	vld [tilespmem:s18+$0x1000];
	v31 =	vmul.f32 v31, v31;
	v34 =	vmul.f32 v34, v34  }
0x45: {  	v50 =	vld [tilespmem:s18+$0x1010];
	v32 =	vmul.f32 v32, v32;
	v35 =	vmul.f32 v35, v35  }
0x46: {  	v38 =	vmul.f32 v38, v38;
	v20 =	vadd.f32 v20, v21;
	v21 =	vadd.f32 v27, v26;
	v27 =	vld [tilespmem:s18+$0x5000]  }
0x47: {  	v25 =	vld [tilespmem:s18+$0x2010];
	v30 =	vmul.f32 v30, v30;
	v33 =	vmul.f32 v33, v33  }
0x48: {  	v42 =	vmul.f32 v42, v42;
	v53 =	vmul.f32 v43, v43;
	v26 =	vld [tilespmem:s18+$0x2020];
	v37 =	vadd.f32 v20, v21  }
0x49: {  	v22 =	vadd.f32 v28, v22;
	v28 =	vmul.f32 v41, v41;
	v20 =	vmul.f32 v29, v29;
	v29 =	vld [tilespmem:s18+$0x4030]  }
0x4a: {  	v51 =	vld [tilespmem:s18+$0x0];
	v23 =	vadd.f32 v23, v30;
	v21 =	vmul.f32 v36, v36;
	v40 =	vperm.xlane v37, v0  }
0x4b: {  	v30 =	vld [tilespmem:s18+$0x3000];
	v31 =	vadd.f32 v38, v31;
	v36 =	vmul.f32 v50, v50;
	v27 =	vmul.f32 v27, v27  }
0x4c: {  	v42 =	vadd.f32 v24, v42;
	v25 =	vmul.f32 v25, v25;
	v37 =	vadd.f32 v37, v40  }
0x4d: {  	v52 =	vld [tilespmem:s18+$0x6000];
	v28 =	vadd.f32 v36, v28;
	v26 =	vmul.f32 v26, v26;
	v27 =	vadd.f32 v33, v27  }
0x4e: {  	v55 =	vadd.f32 v25, v35;
	v29 =	vmul.f32 v29, v29;
	v24 =	vperm.xlane v37, v1  }
0x4f: {  	v26 =	vadd.f32 v53, v26;
	v22 =	vadd.f32 v22, v27;
	v27 =	vmul.f32 v51, v51  }
0x50: {  	v57 =	vmul.f32 v30, v30;
	v29 =	vadd.f32 v29, v32;
	v56 =	vadd.f32 v37, v24  }
0x51: {  	v26 =	vadd.f32 v26, v55;
	v25 =	vperm.xlane v22, v0;
	v24 =	vadd.f32 v34, v27  }
0x52: {  	v54 =	vld [tilespmem:s18+$0x30];
	v27 =	vmul.f32 v52, v52;
	v29 =	vadd.f32 v29, v42;
	v30 =	vperm.xlane v56, v2  }
0x53: {  	v58 =	vld [tilespmem:s18+$0x3010];
	v28 =	vadd.f32 v31, v28;
	v31 =	vperm.xlane v26, v0;
	v22 =	vadd.f32 v22, v25  }
0x54: {  	v27 =	vadd.f32 v39, v27;
	v60 =	vperm.xlane v29, v0;
	v30 =	vadd.f32 v56, v30  }
0x55: {  	v62 =	vperm.xlane v28, v0;
	v31 =	vadd.f32 v26, v31;
	v59 =	vperm.xlane v22, v1  }
0x56: {  	v61 =	vld [tilespmem:s18+$0x3030];
	v23 =	vadd.f32 v23, v27;
	v34 =	vadd.f32 v29, v60;
	v27 =	vperm.xlane v30, v3  }
0x57: {  	v25 =	vmul.f32 v54, v54;
	v26 =	vadd.f32 v28, v62;
	v22 =	vadd.f32 v22, v59  }
0x58: {  	v29 =	vmul.f32 v58, v58;
	v28 =	vperm.xlane v34, v1;
	v30 =	vadd.f32 v30, v27  }
0x59: {  	v27 =	vperm.xlane v31, v1;
	v63 =	vperm.xlane v22, v2  }
0x5a: {  	s14 =	simm.s32 $0x200;
	v29 =	vadd.f32 v29, v57;
	v28 =	vadd.f32 v34, v28;
	vm0 =	vgt.f32 v30, v9  }
0x5b: {  	s8 =	smov.u32 s12;
	s1 =	sadd.s32 $0xE0, s12;
	s18 =	smov.u32 s12;
	v27 =	vadd.f32 v31, v27;
	v31 =	vmul.f32 v61, v61;
	v22 =	vadd.f32 v22, v63  }
.LBB2_3:
0x5c: {  	s15 =	sshra.s32 s14, $0x2  }
0x5d: {  	v20 =	vadd.f32 v25, v20;
	v9 =	vsel vm0, v30, v9;
	v16 =	vsel vm0, s1, v16;
	s8 =	sadd.s32 $0x1, s8;
	s1 =	smov.u32 s14;
	s2 =	sadd.s32 $0x200, s14  }
0x5e: {  	p0 =	sne.s32 s14, $0x3E00;
	v25 =	vld [tilespmem:s15+$0x7030];
	v30 =	vperm.xlane v27, v2;
	v21 =	vadd.f32 v31, v21;
	v31 =	vperm.xlane v28, v2  }
0x5f: {  	v33 =	vperm.xlane v23, v0;
	v32 =	vld [tilespmem:s15+$0x7020];
	v20 =	vadd.f32 v20, v24;
	v24 =	vperm.xlane v26, v1  }
0x60: {  	v34 =	vld [tilespmem:s15+$0x5020];
	v21 =	vadd.f32 v21, v29;
	v28 =	vadd.f32 v28, v31  }
0x61: {  	v23 =	vadd.f32 v23, v33;
	v27 =	vadd.f32 v27, v30;
	v29 =	vld [tilespmem:s15+$0x6030];
	v31 =	vperm.xlane v20, v0  }
0x62: {  	v24 =	vadd.f32 v26, v24;
	v30 =	vld [tilespmem:s15+$0x6010];
	v26 =	vperm.xlane v21, v0;
	v33 =	vperm.xlane v28, v3  }
0x63: {  	v36 =	vperm.xlane v23, v1;
	v35 =	vld [tilespmem:s15+$0x4010];
	v20 =	vadd.f32 v20, v31;
	v31 =	vperm.xlane v27, v3  }
0x64: {  	v37 =	vld [tilespmem:s15+$0x7000];
	v21 =	vadd.f32 v21, v26  }
0x65: {  	v25 =	vmul.f32 v25, v25;
	v28 =	vadd.f32 v28, v33;
	v26 =	vld [tilespmem:s15+$0x7010];
	v38 =	vperm.xlane v20, v1  }
0x66: {  	v32 =	vmul.f32 v32, v32;
	v27 =	vadd.f32 v27, v31;
	v31 =	vadd.f32 v23, v36;
	v33 =	vld [tilespmem:s15+$0x5030]  }
0x67: {  	v23 =	vperm.xlane v21, v1;
	v36 =	vld [tilespmem:s15+$0x20];
	v20 =	vadd.f32 v20, v38;
	v38 =	vperm.xlane v24, v2  }
0x68: {  	v34 =	vmul.f32 v34, v34;
	v25 =	vadd.f32 v25, v32;
	vm0 =	vgt.f32 v27, v19;
	v39 =	vld [tilespmem:s15+$0x6020]  }
0x69: {  	v29 =	vmul.f32 v29, v29;
	v21 =	vadd.f32 v21, v23;
	v32 =	vld [tilespmem:s15+$0x1020];
	v37 =	vmul.f32 v37, v37  }
0x6a: {  	v23 =	vmul.f32 v30, v30;
	v19 =	vsel vm0, v27, v19;
	v40 =	vld [tilespmem:s15+$0x4020];
	v26 =	vmul.f32 v26, v26  }
0x6b: {  	v30 =	vperm.xlane v20, v2;
	v24 =	vadd.f32 v24, v38;
	v38 =	vperm.xlane v21, v2;
	v27 =	vld [tilespmem:s15+$0x5010]  }
0x6c: {  	v35 =	vmul.f32 v35, v35;
	v41 =	vld [tilespmem:s15+$0x10];
	v26 =	vadd.f32 v26, v37;
	v37 =	vperm.xlane v31, v2  }
0x6d: {  	v30 =	vadd.f32 v20, v30;
	v20 =	vperm.xlane v22, v3;
	v21 =	vadd.f32 v21, v38;
	v42 =	vld [tilespmem:s15+$0x2000]  }
0x6e: {  	v38 =	vld [tilespmem:s15+$0x3020];
	v25 =	vadd.f32 v25, v26;
	v26 =	vperm.xlane v24, v3;
	v31 =	vadd.f32 v31, v37  }
0x6f: {  	v43 =	vperm.xlane v30, v3;
	v22 =	vadd.f32 v22, v20;
	v44 =	vperm.xlane v21, v3;
	v37 =	vld [tilespmem:s15+$0x2020]  }
0x70: {  	vm1 =	vgt.f32 v28, v14;
	v20 =	vmul.f32 v33, v33;
	v45 =	vld [tilespmem:s15+$0x5000];
	v26 =	vadd.f32 v24, v26  }
0x71: {  	s1 =	sadd.s32 $0x80, s18;
	v14 =	vsel vm1, v28, v14;
	v33 =	vperm.xlane v25, v0;
	v28 =	vperm.xlane v31, v3;
	v24 =	vld [tilespmem:s15+$0x1030]  }
0x72: {  	v13 =	vsel vm1, s1, v13;
	v32 =	vmul.f32 v32, v32;
	v34 =	vadd.f32 v20, v34;
	v46 =	vld [tilespmem:s15+$0x2010]  }
0x73: {  	v20 =	vmul.f32 v36, v36;
	v30 =	vadd.f32 v30, v43;
	v28 =	vadd.f32 v31, v28;
	v36 =	vld [tilespmem:s15+$0x6000]  }
0x74: {  	v40 =	vmul.f32 v40, v40;
	v43 =	vadd.f32 v21, v44;
	v31 =	vmul.f32 v41, v41;
	v41 =	vld [tilespmem:s15+$0x1000]  }
0x75: {  	vm1 =	vgt.f32 v22, v11;
	v21 =	vmul.f32 v38, v38;
	vm2 =	vgt.f32 v28, v5;
	v38 =	vld [tilespmem:s15+$0x4030]  }
0x76: {  	s1 =	sadd.s32 $0xA0, s18;
	v11 =	vsel vm1, v22, v11;
	vm3 =	vgt.f32 v30, v18;
	v45 =	vmul.f32 v45, v45;
	v44 =	vld [tilespmem:s15+$0x4000]  }
0x77: {  	v6 =	vsel vm1, s1, v6;
	s1 =	sadd.s32 $0xC0, s18;
	v22 =	vmul.f32 v42, v42;
	v42 =	vmul.f32 v46, v46;
	v46 =	vld [tilespmem:s15+$0x3000]  }
0x78: {  	v39 =	vmul.f32 v39, v39;
	v4 =	vsel vm2, s1, v4;
	v24 =	vmul.f32 v24, v24;
	v47 =	vld [tilespmem:s15+$0x1010]  }
0x79: {  	v37 =	vmul.f32 v37, v37;
	v5 =	vsel vm2, v28, v5;
	v41 =	vmul.f32 v41, v41;
	v48 =	vld [tilespmem:s15+$0x2030]  }
0x7a: {  	v27 =	vmul.f32 v27, v27;
	v18 =	vsel vm3, v30, v18;
	v28 =	vmul.f32 v38, v38  }
0x7b: {  	v29 =	vadd.f32 v29, v39;
	v17 =	vsel vm3, s18, v17;
	s1 =	sadd.s32 $0x40, s18;
	v30 =	vld [tilespmem:s15+$0x0];
	v38 =	vmul.f32 v44, v44  }
0x7c: {  	v33 =	vadd.f32 v25, v33;
	v12 =	vsel vm0, s1, v12;
	vm0 =	vgt.f32 v43, v7;
	v39 =	vld [tilespmem:s15+$0x30]  }
0x7d: {  	v32 =	vadd.f32 v24, v32;
	v24 =	vadd.f32 v27, v45;
	v44 =	vmul.f32 v47, v47  }
0x7e: {  	vm1 =	vgt.f32 v26, v15;
	s1 =	sadd.s32 $0x60, s18;
	v45 =	vmul.f32 v46, v46;
	v27 =	vmul.f32 v48, v48  }
0x7f: {  	s14 =	sadd.s32 $0x20, s18;
	s18 =	smov.u32 s8;
	v8 =	vsel vm0, s1, v8;
	v35 =	vadd.f32 v35, v38;
	v38 =	vperm.xlane v33, v1  }
0x80: {  	v10 =	vsel vm1, s14, v10;
	v34 =	vadd.f32 v34, v24;
	v30 =	vmul.f32 v30, v30  }
0x81: {  	v28 =	vadd.f32 v28, v40;
	v25 =	vmul.f32 v39, v39;
	v39 =	vadd.f32 v44, v41  }
0x82: {  	v22 =	vadd.f32 v42, v22;
	v40 =	vperm.xlane v34, v0;
	v33 =	vadd.f32 v33, v38  }
0x83: {  	v15 =	vsel vm1, v26, v15;
	v27 =	vadd.f32 v27, v37;
	v24 =	vadd.f32 v31, v30  }
0x84: {  	v26 =	vadd.f32 v34, v40;
	v30 =	vmul.f32 v36, v36;
	v31 =	vperm.xlane v33, v2  }
0x85: {  	v7 =	vsel vm0, v43, v7;
	v28 =	vadd.f32 v28, v35;
	v22 =	vadd.f32 v27, v22;
	v27 =	vld [tilespmem:s15+$0x3010]  }
0x86: {  	v34 =	vperm.xlane v26, v1;
	v23 =	vadd.f32 v23, v30;
	v30 =	vadd.f32 v33, v31  }
0x87: {  	v31 =	vadd.f32 v32, v39;
	v32 =	vperm.xlane v22, v0;
	v33 =	vperm.xlane v28, v0  }
0x88: {  	v34 =	vadd.f32 v26, v34;
	v23 =	vadd.f32 v29, v23;
	v26 =	vperm.xlane v30, v3;
	v35 =	vld [tilespmem:s15+$0x3030]  }
.Ltmp0:
0x89: {  	v29 =	vperm.xlane v31, v0;
	v32 =	vadd.f32 v22, v32;
	v28 =	vadd.f32 v28, v33;
	(pc) =	sbr.rel @p0 .LBB2_3-.Ltmp0, $4  }
0x8a: {  	v30 =	vadd.f32 v30, v26;
	v22 =	vmul.f32 v27, v27;
	v27 =	vperm.xlane v34, v2  }
0x8b: {  	v26 =	vadd.f32 v31, v29;
	v31 =	vperm.xlane v32, v1;
	v33 =	vperm.xlane v28, v1  }
0x8c: {  	vm0 =	vgt.f32 v30, v9;
	v29 =	vadd.f32 v22, v45;
	v22 =	vadd.f32 v34, v27  }
0x8d: {  	s14 =	smov.u32 s2;
	s1 =	sadd.s32 $0xE0, s8;
	v28 =	vadd.f32 v28, v33;
	v27 =	vadd.f32 v32, v31;
	v31 =	vmul.f32 v35, v35  }
0x8e: {  	_ =	swait.ge [sflag:s28], $0x2000  }
0x8f: {  	[sflag:s28] =	ssyncset.done $0x0  }
0x90: {  	[sflag:s28] =	ssyncadd.s32 $0xFFFFE000  }
0x91: {  	_ =	swait.ge [sflag:s29], $0x2000  }
0x92: {  	[sflag:s29] =	ssyncset.done $0x0  }
0x93: {  	[sflag:s29] =	ssyncadd.s32 $0xFFFFE000  }
0x94: {  	_ =	swait.ge [sflag:s30], $0x2000  }
0x95: {  	[sflag:s30] =	ssyncset.done $0x0  }
0x96: {  	p0 =	seq.s32 s6, $0xF;
	[sflag:s30] =	ssyncadd.s32 $0xFFFFE000  }
0x97: {  	s2 =	sadd.s32 @!p0 s7, s9;
	_ =	swait.ge [sflag:s31], $0x2000  }
0x98: {  	s2 =	sshrl.u32 @!p0 s2, $0x3;
	[sflag:s31] =	ssyncset.done $0x0  }
0x99: {  	s8 =	simm.s32 @!p0 $0x0;
	s2 =	sadd.s32 @!p0 s3, s2;
	[sflag:s31] =	ssyncadd.s32 $0xFFFFE000  }
0x9a: {  	[tilespmem:s8], [sflag:$0x1] =	stream.linear.gather @!p0 [hbm4b:s2+s8], $0x2000, $0x38;
	[tilespmem:$0x10100] =	vst v63  }
0x9b: {  	s2 =	sadd.s32 @!p0 s7, s10  }
0x9c: {  	s2 =	sshrl.u32 @!p0 s2, $0x3  }
0x9d: {  	s14 =	simm.s32 @!p0 $0x2000;
	s2 =	sadd.s32 @!p0 s3, s2  }
0x9e: {  	[tilespmem:s14], [sflag:$0x2] =	stream.linear.gather @!p0 [hbm4b:s2+s8], $0x2000, $0x38;
	[tilespmem:$0x10100] =	vst v63  }
0x9f: {  	s2 =	sadd.s32 @!p0 s7, s11  }
0xa0: {  	s2 =	sshrl.u32 @!p0 s2, $0x3  }
0xa1: {  	v20 =	vadd.f32 v25, v20;
	s14 =	simm.s32 @!p0 $0x4000;
	s2 =	sadd.s32 @!p0 s3, s2  }
0xa2: {  	v21 =	vadd.f32 v31, v21;
	[tilespmem:s14], [sflag:$0x3] =	stream.linear.gather @!p0 [hbm4b:s2+s8], $0x2000, $0x38;
	[tilespmem:$0x10100] =	vst v63  }
0xa3: {  	v20 =	vadd.f32 v20, v24;
	s2 =	sadd.s32 @!p0 s7, s13  }
0xa4: {  	v21 =	vadd.f32 v21, v29;
	s2 =	sshrl.u32 @!p0 s2, $0x3  }
0xa5: {  	v9 =	vsel vm0, v30, v9;
	v30 =	vperm.xlane v27, v2;
	v24 =	vperm.xlane v20, v0;
	s7 =	simm.s32 @!p0 $0x6000;
	s2 =	sadd.s32 @!p0 s3, s2  }
0xa6: {  	v29 =	vperm.xlane v23, v0;
	v25 =	vperm.xlane v21, v0;
	[tilespmem:s7], [sflag:$0x4] =	stream.linear.gather @!p0 [hbm4b:s2+s8], $0x2000, $0x38;
	[tilespmem:$0x10100] =	vst v63  }
0xa7: {  	v31 =	vperm.xlane v26, v1;
	v27 =	vadd.f32 v27, v30;
	v20 =	vadd.f32 v20, v24;
	s7 =	simm.s32 $0x0  }
0xa8: {  	v23 =	vadd.f32 v23, v29;
	v21 =	vadd.f32 v21, v25;
	v25 =	vperm.xlane v28, v2;
	v24 =	vld [tilespmem:s7+$0xF030]  }
0xa9: {  	v16 =	vsel vm0, s1, v16;
	v26 =	vadd.f32 v26, v31;
	v30 =	vperm.xlane v20, v1;
	v29 =	vld [tilespmem:s7+$0xF020]  }
0xaa: {  	v34 =	vperm.xlane v27, v3;
	v25 =	vadd.f32 v28, v25;
	v28 =	vperm.xlane v23, v1;
	v33 =	vld [tilespmem:s7+$0xD020]  }
0xab: {  	v56 =	vperm.xlane v22, v3;
	v32 =	vperm.xlane v21, v1;
	v20 =	vadd.f32 v20, v30;
	v31 =	vld [tilespmem:s7+$0xE030]  }
0xac: {  	v27 =	vadd.f32 v27, v34;
	v23 =	vadd.f32 v23, v28;
	v28 =	vperm.xlane v26, v2;
	v30 =	vld [tilespmem:s7+$0xE010]  }
0xad: {  	v21 =	vadd.f32 v21, v32;
	v52 =	vperm.xlane v25, v3;
	v53 =	vperm.xlane v20, v2;
	v35 =	vld [tilespmem:s7+$0xC010]  }
0xae: {  	vm0 =	vgt.f32 v27, v19;
	v26 =	vadd.f32 v26, v28;
	v28 =	vperm.xlane v23, v2;
	v37 =	vld [tilespmem:s7+$0xF000]  }
0xaf: {  	v36 =	vperm.xlane v21, v2;
	v25 =	vadd.f32 v25, v52;
	v20 =	vadd.f32 v20, v53;
	v54 =	vld [tilespmem:s7+$0xF010]  }
0xb0: {  	v22 =	vadd.f32 v22, v56;
	v19 =	vsel vm0, v27, v19;
	v23 =	vadd.f32 v23, v28;
	v55 =	vld [tilespmem:s7+$0xD030]  }
0xb1: {  	v21 =	vadd.f32 v21, v36;
	vm1 =	vgt.f32 v25, v14;
	v27 =	vperm.xlane v20, v3;
	v28 =	vld [tilespmem:s7+$0x8020]  }
0xb2: {  	s15 =	sadd.s32 $0x80, s18;
	v38 =	vperm.xlane v26, v3;
	v14 =	vsel vm1, v25, v14;
	v57 =	vperm.xlane v23, v3;
	v40 =	vld [tilespmem:s7+$0xE020]  }
0xb3: {  	v13 =	vsel vm1, s15, v13;
	v39 =	vperm.xlane v21, v3;
	v20 =	vadd.f32 v20, v27;
	v41 =	vld [tilespmem:s7+$0x9020]  }
0xb4: {  	vm1 =	vgt.f32 v22, v11;
	v26 =	vadd.f32 v26, v38;
	v23 =	vadd.f32 v23, v57;
	v25 =	vld [tilespmem:s7+$0xC020]  }
0xb5: {  	v11 =	vsel vm1, v22, v11;
	s14 =	sadd.s32 $0x40, s18;
	v27 =	vadd.f32 v21, v39;
	vm3 =	vgt.f32 v20, v18;
	v58 =	vld [tilespmem:s7+$0xD010]  }
0xb6: {  	v12 =	vsel vm0, s14, v12;
	vm2 =	vgt.f32 v23, v5;
	v18 =	vsel vm3, v20, v18;
	v59 =	vld [tilespmem:s7+$0xA000]  }
0xb7: {  	v17 =	vsel vm3, s18, v17;
	v22 =	vld [tilespmem:s7+$0xB020];
	v21 =	vmul.f32 v24, v24;
	v24 =	vmul.f32 v29, v29  }
0xb8: {  	s2 =	sadd.s32 $0xA0, s18;
	vm0 =	vgt.f32 v27, v7;
	v62 =	vld [tilespmem:s7+$0xA010];
	v37 =	vmul.f32 v37, v37;
	v32 =	vmul.f32 v54, v54  }
0xb9: {  	v6 =	vsel vm1, s2, v6;
	v61 =	vld [tilespmem:s7+$0x9030];
	v33 =	vmul.f32 v33, v33;
	v31 =	vmul.f32 v31, v31  }
0xba: {  	v5 =	vsel vm2, v23, v5;
	v43 =	vld [tilespmem:s7+$0x9000];
	v30 =	vmul.f32 v30, v30;
	v35 =	vmul.f32 v35, v35  }
0xbb: {  	vm1 =	vgt.f32 v26, v15;
	v44 =	vld [tilespmem:s7+$0xC000];
	v34 =	vmul.f32 v55, v55;
	v41 =	vmul.f32 v41, v41  }
0xbc: {  	v45 =	vld [tilespmem:s7+$0xA030];
	v7 =	vsel vm0, v27, v7;
	v20 =	vmul.f32 v28, v28;
	v25 =	vmul.f32 v25, v25  }
0xbd: {  	v23 =	vld [tilespmem:s7+$0xD000];
	v15 =	vsel vm1, v26, v15;
	v26 =	vmul.f32 v59, v59;
	v63 =	vmul.f32 v62, v62  }
0xbe: {  	s8 =	sadd.s32 $0xC0, s18;
	v48 =	vld [tilespmem:s7+$0x8000];
	v27 =	vmul.f32 v61, v61;
	v21 =	vadd.f32 v21, v24;
	v24 =	vadd.f32 v32, v37  }
0xbf: {  	v4 =	vsel vm2, s8, v4;
	v28 =	vld [tilespmem:s7+$0xC030];
	v46 =	vmul.f32 v40, v40;
	v47 =	vmul.f32 v43, v43  }
0xc0: {  	s15 =	sadd.s32 $0x60, s18;
	v60 =	vld [tilespmem:s7+$0xA020];
	v36 =	vmul.f32 v58, v58;
	v50 =	vmul.f32 v44, v44;
	v24 =	vadd.f32 v21, v24  }
0xc1: {  	s18 =	sadd.s32 $0x20, s18;
	v8 =	vsel vm0, s15, v8;
	v29 =	vld [tilespmem:s7+$0x8010];
	v39 =	vmul.f32 v45, v45;
	v21 =	vmul.f32 v22, v22  }
0xc2: {  	v10 =	vsel vm1, s18, v10;
	v22 =	vmul.f32 v23, v23;
	v23 =	vld [tilespmem:s7+$0x9010];
	v42 =	vperm.xlane v24, v0  }
0xc3: {  	v53 =	vmul.f32 v48, v48;
	v33 =	vadd.f32 v34, v33;
	v31 =	vadd.f32 v31, v46  }
0xc4: {  	v51 =	vld [tilespmem:s7+$0xE000];
	v28 =	vmul.f32 v28, v28;
	v22 =	vadd.f32 v36, v22;
	v24 =	vadd.f32 v24, v42  }
0xc5: {  	v49 =	vld [tilespmem:s7+$0xB000];
	v32 =	vmul.f32 v60, v60;
	v27 =	vadd.f32 v27, v41;
	v35 =	vadd.f32 v35, v50  }
0xc6: {  	v28 =	vadd.f32 v28, v25;
	v22 =	vadd.f32 v33, v22;
	v42 =	vperm.xlane v24, v1  }
0xc7: {  	v26 =	vadd.f32 v63, v26;
	v29 =	vmul.f32 v29, v29;
	v23 =	vmul.f32 v23, v23  }
0xc8: {  	v28 =	vadd.f32 v28, v35;
	v25 =	vperm.xlane v22, v0;
	v54 =	vadd.f32 v24, v42  }
0xc9: {  	v55 =	vmul.f32 v51, v51;
	v24 =	vadd.f32 v29, v53;
	v29 =	vadd.f32 v39, v32  }
0xca: {  	v52 =	vld [tilespmem:s7+$0x8030];
	v37 =	vmul.f32 v49, v49;
	v23 =	vadd.f32 v23, v47;
	v22 =	vadd.f32 v22, v25  }
0xcb: {  	v30 =	vadd.f32 v30, v55;
	v56 =	vperm.xlane v54, v2;
	v26 =	vadd.f32 v29, v26  }
0xcc: {  	v60 =	vperm.xlane v28, v0;
	v27 =	vadd.f32 v27, v23;
	v29 =	vld [tilespmem:s7+$0xB010];
	v57 =	vperm.xlane v22, v1  }
0xcd: {  	v61 =	vld [tilespmem:s7+$0xB030];
	v23 =	vadd.f32 v31, v30;
	v58 =	vadd.f32 v54, v56;
	v59 =	vperm.xlane v26, v0  }
0xce: {  	v28 =	vadd.f32 v28, v60;
	v31 =	vperm.xlane v27, v0;
	v22 =	vadd.f32 v22, v57  }
0xcf: {  	v25 =	vmul.f32 v52, v52;
	v30 =	vperm.xlane v58, v3;
	v33 =	vadd.f32 v26, v59  }
0xd0: {  	v63 =	vperm.xlane v28, v1;
	v62 =	vperm.xlane v22, v2;
	v26 =	vadd.f32 v27, v31  }
0xd1: {  	v29 =	vmul.f32 v29, v29;
	v30 =	vadd.f32 v58, v30;
	v27 =	vperm.xlane v33, v1  }
0xd2: {  	s1 =	sadd.s32 $0xE0, s17;
	v28 =	vadd.f32 v28, v63;
	v31 =	vmul.f32 v61, v61;
	v22 =	vadd.f32 v22, v62  }
0xd3: {  	s2 =	simm.s32 $0x200;
	s8 =	smov.u32 s17;
	s7 =	smov.u32 s17;
	v29 =	vadd.f32 v29, v37;
	vm0 =	vgt.f32 v30, v9;
	v27 =	vadd.f32 v33, v27  }
.LBB2_5:
0xd4: {  	s15 =	sshra.s32 s2, $0x2  }
0xd5: {  	v20 =	vadd.f32 v25, v20;
	v9 =	vsel vm0, v30, v9;
	v16 =	vsel vm0, s1, v16;
	s8 =	sadd.s32 $0x1, s8;
	s1 =	smov.u32 s2;
	s14 =	sadd.s32 $0x200, s2  }
0xd6: {  	p0 =	sne.s32 s2, $0x3E00;
	v25 =	vld [tilespmem:s15+$0xF030];
	v30 =	vperm.xlane v27, v2;
	v21 =	vadd.f32 v31, v21;
	v31 =	vperm.xlane v28, v2  }
0xd7: {  	v33 =	vperm.xlane v23, v0;
	v32 =	vld [tilespmem:s15+$0xF020];
	v20 =	vadd.f32 v20, v24;
	v24 =	vperm.xlane v26, v1  }
0xd8: {  	v34 =	vld [tilespmem:s15+$0xD020];
	v21 =	vadd.f32 v21, v29;
	v28 =	vadd.f32 v28, v31  }
0xd9: {  	v23 =	vadd.f32 v23, v33;
	v27 =	vadd.f32 v27, v30;
	v29 =	vld [tilespmem:s15+$0xE030];
	v31 =	vperm.xlane v20, v0  }
0xda: {  	v24 =	vadd.f32 v26, v24;
	v30 =	vld [tilespmem:s15+$0xE010];
	v26 =	vperm.xlane v21, v0;
	v33 =	vperm.xlane v28, v3  }
0xdb: {  	v36 =	vperm.xlane v23, v1;
	v35 =	vld [tilespmem:s15+$0xC010];
	v20 =	vadd.f32 v20, v31;
	v31 =	vperm.xlane v27, v3  }
0xdc: {  	v37 =	vld [tilespmem:s15+$0xF000];
	v21 =	vadd.f32 v21, v26  }
0xdd: {  	v25 =	vmul.f32 v25, v25;
	v28 =	vadd.f32 v28, v33;
	v26 =	vld [tilespmem:s15+$0xF010];
	v38 =	vperm.xlane v20, v1  }
0xde: {  	v32 =	vmul.f32 v32, v32;
	v27 =	vadd.f32 v27, v31;
	v31 =	vadd.f32 v23, v36;
	v33 =	vld [tilespmem:s15+$0xD030]  }
0xdf: {  	v23 =	vperm.xlane v21, v1;
	v36 =	vld [tilespmem:s15+$0x8020];
	v20 =	vadd.f32 v20, v38;
	v38 =	vperm.xlane v24, v2  }
0xe0: {  	v34 =	vmul.f32 v34, v34;
	v25 =	vadd.f32 v25, v32;
	vm0 =	vgt.f32 v27, v19;
	v39 =	vld [tilespmem:s15+$0xE020]  }
0xe1: {  	v29 =	vmul.f32 v29, v29;
	v21 =	vadd.f32 v21, v23;
	v32 =	vld [tilespmem:s15+$0x9020];
	v37 =	vmul.f32 v37, v37  }
0xe2: {  	v23 =	vmul.f32 v30, v30;
	v19 =	vsel vm0, v27, v19;
	v40 =	vld [tilespmem:s15+$0xC020];
	v26 =	vmul.f32 v26, v26  }
0xe3: {  	v30 =	vperm.xlane v20, v2;
	v24 =	vadd.f32 v24, v38;
	v38 =	vperm.xlane v21, v2;
	v27 =	vld [tilespmem:s15+$0xD010]  }
0xe4: {  	v35 =	vmul.f32 v35, v35;
	v41 =	vld [tilespmem:s15+$0x8010];
	v26 =	vadd.f32 v26, v37;
	v37 =	vperm.xlane v31, v2  }
0xe5: {  	v30 =	vadd.f32 v20, v30;
	v20 =	vperm.xlane v22, v3;
	v21 =	vadd.f32 v21, v38;
	v42 =	vld [tilespmem:s15+$0xA000]  }
0xe6: {  	v38 =	vld [tilespmem:s15+$0xB020];
	v25 =	vadd.f32 v25, v26;
	v26 =	vperm.xlane v24, v3;
	v31 =	vadd.f32 v31, v37  }
0xe7: {  	v43 =	vperm.xlane v30, v3;
	v22 =	vadd.f32 v22, v20;
	v44 =	vperm.xlane v21, v3;
	v37 =	vld [tilespmem:s15+$0xA020]  }
0xe8: {  	vm1 =	vgt.f32 v28, v14;
	v20 =	vmul.f32 v33, v33;
	v45 =	vld [tilespmem:s15+$0xD000];
	v26 =	vadd.f32 v24, v26  }
0xe9: {  	s1 =	sadd.s32 $0x80, s7;
	v14 =	vsel vm1, v28, v14;
	v33 =	vperm.xlane v25, v0;
	v28 =	vperm.xlane v31, v3;
	v24 =	vld [tilespmem:s15+$0x9030]  }
0xea: {  	v13 =	vsel vm1, s1, v13;
	v32 =	vmul.f32 v32, v32;
	v34 =	vadd.f32 v20, v34;
	v46 =	vld [tilespmem:s15+$0xA010]  }
0xeb: {  	v20 =	vmul.f32 v36, v36;
	v30 =	vadd.f32 v30, v43;
	v28 =	vadd.f32 v31, v28;
	v36 =	vld [tilespmem:s15+$0xE000]  }
0xec: {  	v40 =	vmul.f32 v40, v40;
	v43 =	vadd.f32 v21, v44;
	v31 =	vmul.f32 v41, v41;
	v41 =	vld [tilespmem:s15+$0x9000]  }
0xed: {  	vm1 =	vgt.f32 v22, v11;
	v21 =	vmul.f32 v38, v38;
	vm2 =	vgt.f32 v28, v5;
	v38 =	vld [tilespmem:s15+$0xC030]  }
0xee: {  	s1 =	sadd.s32 $0xA0, s7;
	v11 =	vsel vm1, v22, v11;
	vm3 =	vgt.f32 v30, v18;
	v45 =	vmul.f32 v45, v45;
	v44 =	vld [tilespmem:s15+$0xC000]  }
0xef: {  	v6 =	vsel vm1, s1, v6;
	s1 =	sadd.s32 $0xC0, s7;
	v22 =	vmul.f32 v42, v42;
	v42 =	vmul.f32 v46, v46;
	v46 =	vld [tilespmem:s15+$0xB000]  }
0xf0: {  	v39 =	vmul.f32 v39, v39;
	v4 =	vsel vm2, s1, v4;
	v24 =	vmul.f32 v24, v24;
	v47 =	vld [tilespmem:s15+$0x9010]  }
0xf1: {  	v37 =	vmul.f32 v37, v37;
	v5 =	vsel vm2, v28, v5;
	v41 =	vmul.f32 v41, v41;
	v48 =	vld [tilespmem:s15+$0xA030]  }
0xf2: {  	v27 =	vmul.f32 v27, v27;
	v18 =	vsel vm3, v30, v18;
	v28 =	vmul.f32 v38, v38  }
0xf3: {  	v29 =	vadd.f32 v29, v39;
	v17 =	vsel vm3, s7, v17;
	s1 =	sadd.s32 $0x40, s7;
	v30 =	vld [tilespmem:s15+$0x8000];
	v38 =	vmul.f32 v44, v44  }
0xf4: {  	v33 =	vadd.f32 v25, v33;
	v12 =	vsel vm0, s1, v12;
	vm0 =	vgt.f32 v43, v7;
	v39 =	vld [tilespmem:s15+$0x8030]  }
0xf5: {  	v32 =	vadd.f32 v24, v32;
	v24 =	vadd.f32 v27, v45;
	v44 =	vmul.f32 v47, v47  }
0xf6: {  	vm1 =	vgt.f32 v26, v15;
	s1 =	sadd.s32 $0x60, s7;
	v45 =	vmul.f32 v46, v46;
	v27 =	vmul.f32 v48, v48  }
0xf7: {  	s2 =	sadd.s32 $0x20, s7;
	s7 =	smov.u32 s8;
	v8 =	vsel vm0, s1, v8;
	v35 =	vadd.f32 v35, v38;
	v38 =	vperm.xlane v33, v1  }
0xf8: {  	v10 =	vsel vm1, s2, v10;
	v34 =	vadd.f32 v34, v24;
	v30 =	vmul.f32 v30, v30  }
0xf9: {  	v28 =	vadd.f32 v28, v40;
	v25 =	vmul.f32 v39, v39;
	v39 =	vadd.f32 v44, v41  }
0xfa: {  	v22 =	vadd.f32 v42, v22;
	v40 =	vperm.xlane v34, v0;
	v33 =	vadd.f32 v33, v38  }
0xfb: {  	v15 =	vsel vm1, v26, v15;
	v27 =	vadd.f32 v27, v37;
	v24 =	vadd.f32 v31, v30  }
0xfc: {  	v26 =	vadd.f32 v34, v40;
	v30 =	vmul.f32 v36, v36;
	v31 =	vperm.xlane v33, v2  }
0xfd: {  	v7 =	vsel vm0, v43, v7;
	v28 =	vadd.f32 v28, v35;
	v22 =	vadd.f32 v27, v22;
	v27 =	vld [tilespmem:s15+$0xB010]  }
0xfe: {  	v34 =	vperm.xlane v26, v1;
	v23 =	vadd.f32 v23, v30;
	v30 =	vadd.f32 v33, v31  }
0xff: {  	v31 =	vadd.f32 v32, v39;
	v32 =	vperm.xlane v22, v0;
	v33 =	vperm.xlane v28, v0  }
0x100: {  	v34 =	vadd.f32 v26, v34;
	v23 =	vadd.f32 v29, v23;
	v26 =	vperm.xlane v30, v3;
	v35 =	vld [tilespmem:s15+$0xB030]  }
.Ltmp1:
0x101: {  	v29 =	vperm.xlane v31, v0;
	v32 =	vadd.f32 v22, v32;
	v28 =	vadd.f32 v28, v33;
	(pc) =	sbr.rel @p0 .LBB2_5-.Ltmp1, $4  }
0x102: {  	v30 =	vadd.f32 v30, v26;
	v22 =	vmul.f32 v27, v27;
	v27 =	vperm.xlane v34, v2  }
0x103: {  	v26 =	vadd.f32 v31, v29;
	v31 =	vperm.xlane v32, v1;
	v33 =	vperm.xlane v28, v1  }
0x104: {  	vm0 =	vgt.f32 v30, v9;
	v29 =	vadd.f32 v22, v45;
	v22 =	vadd.f32 v34, v27  }
0x105: {  	s2 =	smov.u32 s14;
	s1 =	sadd.s32 $0xE0, s8;
	v28 =	vadd.f32 v28, v33;
	v27 =	vadd.f32 v32, v31;
	v31 =	vmul.f32 v35, v35  }
0x106: {  	v20 =	vadd.f32 v25, v20  }
0x107: {  	v47 =	vperm.xlane v23, v0;
	v9 =	vsel vm0, v30, v9;
	v21 =	vadd.f32 v31, v21  }
0x108: {  	v50 =	vperm.xlane v26, v1;
	v16 =	vsel vm0, s1, v16;
	v20 =	vadd.f32 v20, v24  }
0x109: {  	v60 =	vperm.xlane v22, v3;
	v48 =	vperm.xlane v28, v2;
	v21 =	vadd.f32 v21, v29  }
0x10a: {  	v49 =	vperm.xlane v27, v2;
	v23 =	vadd.f32 v23, v47;
	v24 =	vperm.xlane v20, v0  }
0x10b: {  	v25 =	vadd.f32 v26, v50;
	v22 =	vadd.f32 v22, v60;
	v29 =	vperm.xlane v21, v0  }
0x10c: {  	v28 =	vadd.f32 v28, v48;
	v52 =	vperm.xlane v23, v1;
	v20 =	vadd.f32 v20, v24  }
0x10d: {  	s8 =	sadd.s32 $0xA0, s7;
	v56 =	vperm.xlane v25, v2;
	vm13 =	vgt.f32 v22, v11;
	v21 =	vadd.f32 v21, v29  }
0x10e: {  	v54 =	vperm.xlane v28, v3;
	v6 =	vsel vm13, s8, v6;
	v51 =	vperm.xlane v20, v1  }
0x10f: {  	v24 =	vadd.f32 v27, v49;
	v23 =	vadd.f32 v23, v52;
	v53 =	vperm.xlane v21, v1  }
0x110: {  	v11 =	vsel vm13, v22, v11;
	v25 =	vadd.f32 v25, v56;
	v20 =	vadd.f32 v20, v51  }
0x111: {  	v55 =	vperm.xlane v24, v3;
	v59 =	vperm.xlane v23, v2;
	v21 =	vadd.f32 v21, v53  }
0x112: {  	v26 =	vadd.f32 v28, v54;
	v61 =	vperm.xlane v25, v3;
	v57 =	vperm.xlane v20, v2  }
0x113: {  	v24 =	vadd.f32 v24, v55;
	v23 =	vadd.f32 v23, v59;
	v58 =	vperm.xlane v21, v2  }
0x114: {  	vm1 =	vgt.f32 v26, v14;
	v25 =	vadd.f32 v25, v61;
	v20 =	vadd.f32 v20, v57  }
0x115: {  	s2 =	sadd.s32 $0x80, s7;
	v14 =	vsel vm1, v26, v14;
	v30 =	vperm.xlane v23, v3;
	v21 =	vadd.f32 v21, v58  }
0x116: {  	s6 =	sadd.s32 $0x1, s6;
	v13 =	vsel vm1, s2, v13;
	vm12 =	vgt.f32 v24, v19;
	v62 =	vperm.xlane v20, v3  }
0x117: {  	s15 =	sadd.s32 $0x40, s7;
	p0 =	sne.s32 s6, $0x10;
	vm15 =	vgt.f32 v25, v15;
	v23 =	vadd.f32 v23, v30;
	v63 =	vperm.xlane v21, v3  }
.Ltmp2:
0x118: {  	s2 =	sadd.s32 $0x20, s7;
	v19 =	vsel vm12, v24, v19;
	v12 =	vsel vm12, s15, v12;
	v20 =	vadd.f32 v20, v62;
	(pc) =	sbr.rel @p0 .LBB2_2-.Ltmp2, $4  }
0x119: {  	s14 =	sadd.s32 $0xC0, s7;
	v10 =	vsel vm15, s2, v10;
	vm2 =	vgt.f32 v23, v5;
	v21 =	vadd.f32 v21, v63  }
0x11a: {  	v15 =	vsel vm15, v25, v15;
	v4 =	vsel vm2, s14, v4;
	vm3 =	vgt.f32 v20, v18  }
0x11b: {  	s18 =	sadd.s32 $0x60, s7;
	v5 =	vsel vm2, v23, v5;
	v18 =	vsel vm3, v20, v18;
	vm14 =	vgt.f32 v21, v7  }
0x11c: {  	s12 =	sadd.s32 $0x200, s12;
	s17 =	sadd.s32 $0x200, s17;
	v17 =	vsel vm3, s7, v17;
	v8 =	vsel vm14, s18, v8;
	v7 =	vsel vm14, v21, v7  }
0x11d: {  	vm0 =	veq.f32 v15, v18;
	vm1 =	vlt.s32 v10, v17  }
0x11e: {  	vm2 =	vgt.f32 v15, v18;
	vm0 =	vmand vm0, vm1  }
0x11f: {  	vm0 =	vmor vm2, vm0  }
0x120: {  	v59 =	vsel vm0, v15, v18;
	v60 =	vsel vm0, v10, v17  }
0x121: {  	vm10 =	veq.f32 v19, v59;
	vm11 =	vlt.s32 v12, v60  }
0x122: {  	vm12 =	vgt.f32 v19, v59;
	vm0 =	vmand vm10, vm11  }
0x123: {  	vm0 =	vmor vm12, vm0  }
0x124: {  	v15 =	vsel vm0, v19, v59;
	v10 =	vsel vm0, v12, v60  }
0x125: {  	vm13 =	veq.f32 v7, v15;
	vm14 =	vlt.s32 v8, v10  }
0x126: {  	vm15 =	vgt.f32 v7, v15;
	vm0 =	vmand vm13, vm14  }
0x127: {  	vm0 =	vmor vm15, vm0  }
0x128: {  	v61 =	vsel vm0, v7, v15;
	v62 =	vsel vm0, v8, v10  }
0x129: {  	vm4 =	veq.f32 v14, v61;
	vm5 =	vlt.s32 v13, v62  }
0x12a: {  	vm6 =	vgt.f32 v14, v61;
	vm0 =	vmand vm4, vm5  }
0x12b: {  	vm0 =	vmor vm6, vm0  }
0x12c: {  	v7 =	vsel vm0, v14, v61;
	v8 =	vsel vm0, v13, v62  }
0x12d: {  	vm7 =	veq.f32 v11, v7;
	vm8 =	vlt.s32 v6, v8  }
0x12e: {  	vm9 =	vgt.f32 v11, v7;
	vm0 =	vmand vm7, vm8  }
0x12f: {  	vm0 =	vmor vm9, vm0  }
0x130: {  	v7 =	vsel vm0, v11, v7;
	v63 =	vsel vm0, v6, v8  }
0x131: {  	vm10 =	veq.f32 v5, v7;
	vm11 =	vlt.s32 v4, v63  }
0x132: {  	vm12 =	vgt.f32 v5, v7;
	vm0 =	vmand vm10, vm11  }
0x133: {  	vm0 =	vmor vm12, vm0  }
0x134: {  	v5 =	vsel vm0, v5, v7;
	v4 =	vsel vm0, v4, v63  }
0x135: {  	vm13 =	veq.f32 v9, v5;
	vm14 =	vlt.s32 v16, v4  }
0x136: {  	vm15 =	vgt.f32 v9, v5;
	vm0 =	vmand vm13, vm14  }
0x137: {  	vm0 =	vmor vm15, vm0  }
0x138: {  	v4 =	vsel vm0, v16, v4  }
0x139: {  	(v2sf) =	vpush v4, $0x0;
	_ =	sdelay $0xe  }
0x13a: {  	s1 =	spop (v2sf)  }
0x13b: {  	s1 =	sshll.u32 s1, $0x7  }
0x13c: {  	s2 =	sand.u32 $0xFFFFFC00, s1  }
0x13d: {  	s1 =	sand.u32 $0x380, s1;
	s2 =	sadd.s32 s5, s2  }
0x13e: {  	s1 =	sor.u32 s1, s2  }
0x13f: {  	s1 =	sshrl.u32 s1, $0x3  }
0x140: {  	s8 =	simm.s32 $0x0;
	s15 =	simm.s32 $0x10000;
	[tilespmem:$0x10080] =	vst v4;
	s1 =	sadd.s32 s3, s1  }
0x141: {  	[tilespmem:s15], [sflag:$0x9] =	stream.linear.gather [hbm4b:s1+s8], $0x80, $0x38;
	[tilespmem:$0x10100] =	vst v63  }
0x142: {  	_ =	swait.ge [sflag:s0], $0x80  }
0x143: {  	[sflag:s0] =	ssyncset.done $0x0  }
0x144: {  	s17 =	rddreg [dreg:$0x6];
	[sflag:s0] =	ssyncadd.s32 $0xFFFFFF80  }
0x145: {  	[hbm4b:s17+s8] =	stream.linear.scatter [tilespmem:s15], [sflag:$0x9], $0x80, $0x38;
	[tilespmem:$0x10100] =	vst v63  }
0x146: {  	_ =	swait.ge [sflag:s0], $0x80  }
0x147: {  	s16 =	sadd.s32 $0x1, s16;
	s18 =	rddreg [dreg:$0x7]  }
0x148: {  	p0 =	sne.s32 s16, s18  }
.Ltmp3:
0x149: {  	_ = 	snop;
	(pc) =	sbr.rel @p0 .LBB2_1-.Ltmp3, $3  }
0x14a: {  	_ =	sdelay $0x1  }
0x14b: {  	[sflag:s0] =	ssyncset.done $0x0  }
0x14c: {  	[sflag:s0] =	ssyncadd.s32 $0xFFFFFF80  }
0x14d: {  	_ =	sfence.sel $0x180000  }
0x14e: {  	[bflag:$0x0] =	sbarrier.arrive $0xFFFF  }
0x14f: {  	_ =	strace $0x90000047  }
0x150: {  	s0 =	stileid.u32;
	[bflag:$0x2] =	sbarrier.arrive $0xFFFF  }
0x151: {  	p0 =	sne.s32 s0, $0x0;
	s0 =	rddreg [dreg:$0x1]  }
0x152: {  	s0 =	sadd.s32 @!p0 $0x100000, s0  }
0x153: {  	[sflag:s0] =	ssyncadd.tile.s32 @!p0 $0x1;
	_ =	shalt  }
.Lfunc_end2:
_tile_overlayer_lowered:
.L_overlay_start_2:
0x154: {  	(tag) =	ssettag $0x2  }
0x155: {  	s0 =	rddreg [dreg:$0x0];
	s2 =	stileid.u32  }
0x156: {  	s1 =	rddreg [dreg:$0x1];
	p0 =	sne.s32 s2, $0x0  }
0x157: {  	s3 =	rddreg [dreg:$0x2];
	[bflag:$0x3] =	sbarrier.arrive $0xFFFF;
	s2 =	simm.s32 @!p0 $0x1C09  }
0x158: {  	[timem:s3], [sflag:s2] =	dma.local @!p0 [hbm:s0], s1  }
0x159: {  	s0 =	simm.s32 @!p0 $0x9  }
0x15a: {  	_ =	swait.ge @!p0 [sflag:s0], s1  }
0x15b: {  	s1 =	ssub.s32 @!p0 $0x0, s1;
	[sflag:s0] =	ssyncset.done @!p0 $0x0  }
0x15c: {  	[sflag:s0] =	ssyncadd.s32 @!p0 s1  }
0x15d: {  	[bflag:$0x3] =	sbarrier.arrive $0xFFFF  }
0x15e: {  	_ =	shalt  }

</sc_bundles>
